<compile_context>
chip_gen: v7x
topology: tpu7x:2x2x1
jax: 0.10.2.dev20260603
libtpu: 0.0.44.dev20260713+nightly
codegen_flags: <defaults>
</compile_context>

<pallas_src>
import functools

import jax
import jax.numpy as jnp
from jax import lax
from jax.experimental import pallas as pl
from jax.experimental.pallas import tpu as pltpu
from jax.experimental.pallas import tpu_sc as plsc

_NC = 2
_NS = 16
_W = _NC * _NS
_K = 128
_R = 1024


def _deg_kernel(npad, c_chunks, w=128):
  rpt = npad // _NS
  mesh = plsc.VectorSubcoreMesh(core_axis_name="c", subcore_axis_name="s")

  nb = 2
  assert c_chunks % nb == 0

  def body(dstw, zeros_hbm, ones_hbm, out_hbm, didx_all, ones_v, acc, *sems):
    cid = lax.axis_index("c")
    sid = lax.axis_index("s")
    wid = sid * _NC + cid
    pltpu.sync_copy(zeros_hbm.at[pl.ds(sid * rpt, rpt)],
                    acc.at[pl.ds(sid * rpt, rpt)])
    pltpu.sync_copy(ones_hbm, ones_v)
    pltpu.sync_copy(dstw.at[wid], didx_all)
    plsc.subcore_barrier()

    def swait(c, b):
      pltpu.make_async_copy(ones_v, acc.at[didx_all.at[c]], sems[b]).wait()

    def group(j, carry):
      base = j * nb
      for b in range(nb):
        c = base + b

        @pl.when(c >= nb)
        def _():
          swait(c - nb, b)

        pltpu.async_copy(ones_v, acc.at[didx_all.at[c]], sems[b], add=True)
      return carry

    lax.fori_loop(0, c_chunks // nb, group, 0)
    for b in range(nb):
      swait(c_chunks - nb + b, b)
    plsc.subcore_barrier()
    pltpu.sync_copy(acc.at[pl.ds(sid * rpt, rpt)],
                    out_hbm.at[cid, pl.ds(sid * rpt, rpt)])

  return pl.kernel(
      body,
      out_type=jax.ShapeDtypeStruct((_NC, npad, w), jnp.float32),
      mesh=mesh,
      scratch_types=[
          pltpu.VMEM((c_chunks, _K), jnp.int32),
          pltpu.VMEM((_K, w), jnp.float32),
          pltpu.VMEM_SHARED((npad, w), jnp.float32),
      ] + [pltpu.SemaphoreType.DMA] * nb,
  )


def _agg_kernel(npad, c_chunks, d, k):
  rpt = npad // _NS
  mesh = plsc.VectorSubcoreMesh(core_axis_name="c", subcore_axis_name="s")

  nbg = 2
  nbs = 1
  assert c_chunks % nbg == 0 and c_chunks > nbg, c_chunks

  def body(rows_hbm, srcw, dstw, zeros_hbm, out_hbm, sidx_all, didx_all,
           *bufs_and_sems):
    rows = bufs_and_sems[:nbg]
    acc = bufs_and_sems[nbg]
    gsem = bufs_and_sems[nbg + 1:nbg + 1 + nbg]
    ssem = bufs_and_sems[nbg + 1 + nbg:]
    cid = lax.axis_index("c")
    sid = lax.axis_index("s")
    wid = sid * _NC + cid

    def zpiece(p, carry):
      o = sid * rpt + p * 128
      pltpu.sync_copy(zeros_hbm.at[pl.ds(o, 128)], acc.at[pl.ds(o, 128)])
      return carry

    lax.fori_loop(0, rpt // 128, zpiece, 0)
    pltpu.sync_copy(srcw.at[wid], sidx_all)
    pltpu.sync_copy(dstw.at[wid], didx_all)
    plsc.subcore_barrier()

    kh = k // 2

    def gissue(c, b):
      pltpu.async_copy(rows_hbm.at[sidx_all.at[c, pl.ds(0, kh)]],
                       rows[b].at[pl.ds(0, kh)], gsem[b])
      pltpu.async_copy(rows_hbm.at[sidx_all.at[c, pl.ds(kh, kh)]],
                       rows[b].at[pl.ds(kh, kh)], gsem[b])

    def gwait(c, b):
      pltpu.make_async_copy(rows_hbm.at[sidx_all.at[c]], rows[b],
                            gsem[b]).wait()

    def swait(c, b):
      pltpu.make_async_copy(rows[b], acc.at[didx_all.at[c]],
                            ssem[b % nbs]).wait()

    for b in range(nbg):
      gissue(b, b)

    def group(j, carry):
      base = j * nbg
      for b in range(nbg):
        c = base + b
        gwait(c, b)

        @pl.when(c >= nbs)
        def _():
          swait(c - nbs, (b - nbs) % nbg)

        pltpu.async_copy(rows[b], acc.at[didx_all.at[c]], ssem[b % nbs],
                         add=True)

        @pl.when(jnp.logical_and(c >= nbs, c + nbg - nbs < c_chunks))
        def _():
          gissue(c + nbg - nbs, (b - nbs) % nbg)

      return carry

    lax.fori_loop(0, c_chunks // nbg, group, 0)
    for b in range(nbs):
      swait(c_chunks - nbs + b, (c_chunks - nbs + b) % nbg)
    plsc.subcore_barrier()

    def opiece(p, carry):
      o = sid * rpt + p * 128
      pltpu.sync_copy(acc.at[pl.ds(o, 128)], out_hbm.at[cid, pl.ds(o, 128)])
      return carry

    lax.fori_loop(0, rpt // 128, opiece, 0)

  return pl.kernel(
      body,
      out_type=jax.ShapeDtypeStruct((_NC, npad, d), jnp.float32),
      mesh=mesh,
      scratch_types=[
          pltpu.VMEM((c_chunks, k), jnp.int32),
          pltpu.VMEM((c_chunks, k), jnp.int32),
      ] + [pltpu.VMEM((k, d), jnp.float32)] * nbg + [
          pltpu.VMEM_SHARED((npad, d), jnp.float32),
      ] + [pltpu.SemaphoreType.DMA] * (nbg + nbs),
  )


def _scale_body(degp_ref, x_ref, y_ref, dinv_ref):
  dinv = lax.rsqrt(degp_ref[0, :, 0:1] + degp_ref[1, :, 0:1] + 1.0)
  y_ref[...] = x_ref[...] * dinv
  dinv_ref[...] = jnp.broadcast_to(dinv, dinv_ref.shape)


def _dense_body(dinv_ref, aggp_ref, y_ref, w1_ref, b1_ref, w2_ref, y2_ref):
  dinv = dinv_ref[:, 0:1]
  pre = (aggp_ref[0] + aggp_ref[1] + y_ref[...]) * dinv
  h = jnp.dot(pre.astype(jnp.bfloat16), w1_ref[...],
              preferred_element_type=jnp.float32)
  x1 = jnp.maximum(h + b1_ref[...], 0.0)
  h2 = jnp.dot(x1.astype(jnp.bfloat16), w2_ref[...],
               preferred_element_type=jnp.float32)
  y2_ref[...] = h2 * dinv


def _final_body(dinv_ref, aggp_ref, y2_ref, b2_ref, out_ref):
  dinv = dinv_ref[:, 0:1]
  o = (aggp_ref[0] + aggp_ref[1] + y2_ref[...]) * dinv + b2_ref[...]
  m = jnp.max(o, axis=1, keepdims=True)
  s = jnp.sum(jnp.exp(o - m), axis=1, keepdims=True)
  out_ref[...] = (o - m) - jnp.log(s)


def _row_specs(npad, d):
  dinv16 = pl.BlockSpec((_R, 16), lambda i: (i, 0))
  rows = pl.BlockSpec((_R, d), lambda i: (i, 0))
  aggp = pl.BlockSpec((2, _R, d), lambda i: (0, i, 0))
  return dinv16, rows, aggp


def kernel(x, edge_index, W1, b1, W2, b2):
  n, d_in = x.shape
  e = edge_index.shape[1]
  hid = W1.shape[1]
  d_out = W2.shape[1]

  npad = ((n + 1 + 255) // 256) * 256
  c_chunks = -(-e // (_W * _K))
  epad = _W * _K * c_chunks
  pad = epad - e

  x = x.astype(jnp.float32)
  src = jnp.concatenate([edge_index[0],
                         jnp.arange(pad, dtype=edge_index.dtype) % n])
  sink = n + (jnp.arange(pad, dtype=edge_index.dtype) % (npad - n))
  dst = jnp.concatenate([edge_index[1], sink])
  srcw = src.reshape(_W, c_chunks, _K)
  dstw = dst.reshape(_W, c_chunks, _K)
  x_p = jnp.pad(x, ((0, npad - n), (0, 0)))
  zeros_d = jnp.zeros((npad, d_in), jnp.float32)
  ones_d = jnp.ones((_K, d_in), jnp.float32)

  degp = _deg_kernel(npad, c_chunks, d_in)(dstw, zeros_d, ones_d)

  grid = (npad // _R,)
  dinv_s, row_s, aggp_s = _row_specs(npad, d_in)

  y, dinv16 = pl.pallas_call(
      _scale_body,
      grid=grid,
      in_specs=[pl.BlockSpec((2, _R, d_in), lambda i: (0, i, 0)), row_s],
      out_specs=[row_s, dinv_s],
      out_shape=[jax.ShapeDtypeStruct((npad, d_in), jnp.float32),
                 jax.ShapeDtypeStruct((npad, 16), jnp.float32)],
  )(degp, x_p)

  ka = 128
  ca = epad // (_W * ka)
  srcwa = src.reshape(_W, ca, ka)
  dstwa = dst.reshape(_W, ca, ka)

  aggp1 = _agg_kernel(npad, ca, d_in, ka)(y, srcwa, dstwa, zeros_d)

  y2 = pl.pallas_call(
      _dense_body,
      grid=grid,
      in_specs=[
          dinv_s, aggp_s, row_s,
          pl.BlockSpec((d_in, hid), lambda i: (0, 0)),
          pl.BlockSpec((1, hid), lambda i: (0, 0)),
          pl.BlockSpec((hid, d_out), lambda i: (0, 0)),
      ],
      out_specs=pl.BlockSpec((_R, d_out), lambda i: (i, 0)),
      out_shape=jax.ShapeDtypeStruct((npad, d_out), jnp.float32),
  )(dinv16, aggp1, y, W1.astype(jnp.bfloat16), b1.reshape(1, hid),
    W2.astype(jnp.bfloat16))

  aggp2 = _agg_kernel(npad, ca, d_out, ka)(y2, srcwa, dstwa, zeros_d)

  dinv_s2, row_s2, aggp_s2 = _row_specs(npad, d_out)
  out = pl.pallas_call(
      _final_body,
      grid=grid,
      in_specs=[dinv_s2, aggp_s2, row_s2,
                pl.BlockSpec((1, d_out), lambda i: (0, 0))],
      out_specs=row_s2,
      out_shape=jax.ShapeDtypeStruct((n, d_out), jnp.float32),
  )(dinv16, aggp2, y2, b2.reshape(1, d_out))

  return out

# --- scband reference (transcript-rebuilt; emitter-appended) ---
"""Pipeline reference for scband-ngcn-6098853560420 (READ-ONLY COPY).

The authoritative reference and input builder live on the scoring server;
editing this copy changes nothing except your own understanding.
"""

import jax, jax.numpy as jnp
import numpy as np

N = 10000
E = 160000
D_IN = 128
HID = 4096
D_OUT = 128


def setup_inputs(seed: int = 0) -> dict:
    key = jax.random.key(seed)
    ks = jax.random.split(key, 6)
    x = jax.random.normal(ks[0], (N, D_IN), dtype=jnp.float32)
    # int32 used on the jax side (jax default disables x64); values in [0, N)
    edge_index = jax.random.randint(ks[1], (2, E), 0, N, dtype=jnp.int32)
    # GCNConv parameters (glorot-ish scale)
    W1 = jax.random.normal(ks[2], (D_IN, HID), dtype=jnp.float32) * 0.05
    b1 = jnp.zeros((HID,), dtype=jnp.float32)
    W2 = jax.random.normal(ks[3], (HID, D_OUT), dtype=jnp.float32) * 0.05
    b2 = jnp.zeros((D_OUT,), dtype=jnp.float32)
    return {"x": x, "edge_index": edge_index, "W1": W1, "b1": b1, "W2": W2, "b2": b2}


def gcn_conv(x, edge_index, W, b, n):
    # Faithful PyG GCNConv: add self loops, symmetric normalization,
    # linear transform, then scatter-add aggregation, then bias.
    src = edge_index[0]
    dst = edge_index[1]
    loop = jnp.arange(n, dtype=edge_index.dtype)
    s = jnp.concatenate([src, loop])
    d = jnp.concatenate([dst, loop])
    ones = jnp.ones(s.shape[0], dtype=x.dtype)
    deg = jax.ops.segment_sum(ones, d, num_segments=n)
    dinv = jnp.where(deg > 0, 1.0 / jnp.sqrt(deg), 0.0)
    norm = dinv[s] * dinv[d]
    h = x @ W
    msg = h[s] * norm[:, None]
    out = jax.ops.segment_sum(msg, d, num_segments=n)
    return out + b


def reference(x, edge_index, W1, b1, W2, b2):
    x = x.astype(jnp.float32)
    x = gcn_conv(x, edge_index, W1, b1, N)
    x = jax.nn.relu(x)
    # F.dropout(x, training=self.training): eval mode -> identity
    x = gcn_conv(x, edge_index, W2, b2, N)
    return jax.nn.log_softmax(x, axis=1)

if __name__ == "__main__":
    import jax
    _d = setup_inputs()
    print(jax.jit(kernel)(*tuple(_d.values())))

</pallas_src>

<mosaic_0001>
#map = affine_map<(d0, d1) -> (0, 0, 0)>
#map1 = affine_map<(d0, d1) -> (0, 0)>
module attributes {stable_mosaic.version = 14 : i64} {
  func.func @body(%arg0: i32, %arg1: i32, %arg2: memref<32x40x128xi32, #tpu.memory_space<hbm>>, %arg3: memref<10240x128xf32, #tpu.memory_space<hbm>>, %arg4: memref<128x128xf32, #tpu.memory_space<hbm>>, %arg5: memref<2x10240x128xf32, #tpu.memory_space<hbm>>, %arg6: memref<40x128xi32, #tpu.memory_space<vmem>>, %arg7: memref<128x128xf32, #tpu.memory_space<vmem>>, %arg8: memref<10240x128xf32, #tpu.memory_space<vmem_shared>>, %arg9: memref<!tpu.dma_semaphore, #tpu.memory_space<semaphore_mem>>, %arg10: memref<!tpu.dma_semaphore, #tpu.memory_space<semaphore_mem>>) attributes {dimension_semantics = [#tpu.dimension_semantics<core_parallel>, #tpu.dimension_semantics<subcore_parallel>], iteration_bounds = array<i64: 2, 16>, scalar_prefetch = 0 : i64, scratch_operands = 5 : i64, tpu.core_type = #tpu.core_type<sc_vector_subcore>, window_params = [{transform_indices = #map}, {transform_indices = #map1}, {transform_indices = #map1}, {transform_indices = #map}]} {
    %mul3A = arith.constant 2 : i32
    %mul3A_0 = arith.muli %arg1, %mul3A : i32
    %add3A = arith.addi %mul3A_0, %arg0 : i32
    %mul3A_1 = arith.constant 640 : i32
    %mul3A_2 = arith.muli %arg1, %mul3A_1 : i32
    %mul3A_3 = arith.constant 640 : i32
    %mul3A_4 = arith.muli %arg1, %mul3A_3 : i32
    "tpu.region"() ({
      %run_scoped3A = tpu.sem_alloc : memref<!tpu.dma_semaphore, #tpu.memory_space<semaphore_mem>>
      %dma_start3A = arith.constant 0 : i32
      %dma_start3A_28 = tpu.memref_slice %arg8[%mul3A_4, %dma_start3A] : memref<10240x128xf32, #tpu.memory_space<vmem_shared>> -> memref<640x128xf32, #tpu.memory_space<vmem_shared>>
      %dma_start3A_29 = arith.constant 0 : i32
      %dma_start3A_30 = tpu.memref_slice %arg3[%mul3A_2, %dma_start3A_29] : memref<10240x128xf32, #tpu.memory_space<hbm>> -> memref<640x128xf32, #tpu.memory_space<hbm>>
      tpu.enqueue_dma source(%dma_start3A_30 : memref<640x128xf32, #tpu.memory_space<hbm>>) target(%dma_start3A_28 : memref<640x128xf32, #tpu.memory_space<vmem_shared>>) target_semaphore(%run_scoped3A : memref<!tpu.dma_semaphore, #tpu.memory_space<semaphore_mem>>)
      %dma_wait3A_31 = arith.constant 0 : i32
      %dma_wait3A_32 = tpu.memref_slice %arg8[%mul3A_4, %dma_wait3A_31] : memref<10240x128xf32, #tpu.memory_space<vmem_shared>> -> memref<640x128xf32, #tpu.memory_space<vmem_shared>>
      %dma_wait3A_33 = arith.constant 0 : i32
      %dma_wait3A_34 = tpu.memref_slice %arg3[%mul3A_2, %dma_wait3A_33] : memref<10240x128xf32, #tpu.memory_space<hbm>> -> memref<640x128xf32, #tpu.memory_space<hbm>>
      tpu.wait_dma2 semaphore(%run_scoped3A : memref<!tpu.dma_semaphore, #tpu.memory_space<semaphore_mem>>) src(%dma_wait3A_34 : memref<640x128xf32, #tpu.memory_space<hbm>>) dst(%dma_wait3A_32 : memref<640x128xf32, #tpu.memory_space<vmem_shared>>)
      tpu.yield
    }) : () -> ()
    "tpu.region"() ({
      %run_scoped3A = tpu.sem_alloc : memref<!tpu.dma_semaphore, #tpu.memory_space<semaphore_mem>>
      tpu.enqueue_dma source(%arg4 : memref<128x128xf32, #tpu.memory_space<hbm>>) target(%arg7 : memref<128x128xf32, #tpu.memory_space<vmem>>) target_semaphore(%run_scoped3A : memref<!tpu.dma_semaphore, #tpu.memory_space<semaphore_mem>>)
      tpu.wait_dma2 semaphore(%run_scoped3A : memref<!tpu.dma_semaphore, #tpu.memory_space<semaphore_mem>>) src(%arg4 : memref<128x128xf32, #tpu.memory_space<hbm>>) dst(%arg7 : memref<128x128xf32, #tpu.memory_space<vmem>>)
      tpu.yield
    }) : () -> ()
    "tpu.region"() ({
      %run_scoped3A = tpu.sem_alloc : memref<!tpu.dma_semaphore, #tpu.memory_space<semaphore_mem>>
      %dma_start3A = arith.constant 0 : i32
      %dma_start3A_28 = arith.constant 0 : i32
      %dma_start3A_29 = tpu.memref_slice %arg2[%add3A, %dma_start3A, %dma_start3A_28] : memref<32x40x128xi32, #tpu.memory_space<hbm>> -> memref<1x40x128xi32, #tpu.memory_space<hbm>>
      %dma_start3A_30 = tpu.memref_squeeze %dma_start3A_29 : memref<1x40x128xi32, #tpu.memory_space<hbm>> -> memref<40x128xi32, #tpu.memory_space<hbm>>
      %dma_start3A_31 = arith.constant 0 : i32
      %dma_start3A_32 = arith.constant 0 : i32
      %dma_start3A_33 = tpu.memref_slice %arg2[%add3A, %dma_start3A_31, %dma_start3A_32] : memref<32x40x128xi32, #tpu.memory_space<hbm>> -> memref<1x40x128xi32, #tpu.memory_space<hbm>>
      %dma_start3A_34 = tpu.memref_squeeze %dma_start3A_33 : memref<1x40x128xi32, #tpu.memory_space<hbm>> -> memref<40x128xi32, #tpu.memory_space<hbm>>
      tpu.enqueue_dma source(%dma_start3A_34 : memref<40x128xi32, #tpu.memory_space<hbm>>) target(%arg6 : memref<40x128xi32, #tpu.memory_space<vmem>>) target_semaphore(%run_scoped3A : memref<!tpu.dma_semaphore, #tpu.memory_space<semaphore_mem>>)
      %dma_wait3A_35 = arith.constant 0 : i32
      %dma_wait3A_36 = arith.constant 0 : i32
      %dma_wait3A_37 = tpu.memref_slice %arg2[%add3A, %dma_wait3A_35, %dma_wait3A_36] : memref<32x40x128xi32, #tpu.memory_space<hbm>> -> memref<1x40x128xi32, #tpu.memory_space<hbm>>
      %dma_wait3A_38 = tpu.memref_squeeze %dma_wait3A_37 : memref<1x40x128xi32, #tpu.memory_space<hbm>> -> memref<40x128xi32, #tpu.memory_space<hbm>>
      %dma_wait3A_39 = arith.constant 0 : i32
      %dma_wait3A_40 = arith.constant 0 : i32
      %dma_wait3A_41 = tpu.memref_slice %arg2[%add3A, %dma_wait3A_39, %dma_wait3A_40] : memref<32x40x128xi32, #tpu.memory_space<hbm>> -> memref<1x40x128xi32, #tpu.memory_space<hbm>>
      %dma_wait3A_42 = tpu.memref_squeeze %dma_wait3A_41 : memref<1x40x128xi32, #tpu.memory_space<hbm>> -> memref<40x128xi32, #tpu.memory_space<hbm>>
      tpu.wait_dma2 semaphore(%run_scoped3A : memref<!tpu.dma_semaphore, #tpu.memory_space<semaphore_mem>>) src(%dma_wait3A_42 : memref<40x128xi32, #tpu.memory_space<hbm>>) dst(%arg6 : memref<40x128xi32, #tpu.memory_space<vmem>>)
      tpu.yield
    }) : () -> ()
    %barrier3A = arith.constant 0 : index
    tpu.barrier barrier_id(%barrier3A)
    %scan3A = arith.constant 0 : i32
    %scan3A_5 = arith.constant 0 : i32
    %scan3A_6 = arith.constant 20 : i32
    %scan3A_7 = arith.addi %scan3A_5, %scan3A_6 : i32
    %scan3A_8 = arith.constant 1 : i32
    scf.for %scan3A_28 = %scan3A_5 to %scan3A_7 step %scan3A_8  : i32 {
      %mul3A_29 = arith.constant 2 : i32
      %mul3A_30 = arith.muli %scan3A_28, %mul3A_29 : i32
      %add3A_31 = arith.constant 0 : i32
      %add3A_32 = arith.addi %mul3A_30, %add3A_31 : i32
      %ge3A = arith.constant 2 : i32
      %ge3A_33 = arith.cmpi sge, %add3A_32, %ge3A : i32
      %convert_element_type3A = arith.extui %ge3A_33 : i1 to i32
      %cond3A = arith.constant 0 : i32
      %cond3A_34 = arith.cmpi ne, %convert_element_type3A, %cond3A : i32
      scf.if %cond3A_34 {
        %sub3A = arith.constant 2 : i32
        %sub3A_53 = arith.subi %add3A_32, %sub3A : i32
        %dma_wait3A_54 = arith.constant 0 : i32
        %dma_wait3A_55 = tpu.memref_slice %arg6[%sub3A_53, %dma_wait3A_54] : memref<40x128xi32, #tpu.memory_space<vmem>> -> memref<1x128xi32, #tpu.memory_space<vmem>>
        %dma_wait3A_56 = tpu.memref_squeeze %dma_wait3A_55 : memref<1x128xi32, #tpu.memory_space<vmem>> -> memref<128xi32, #tpu.memory_space<vmem>>
        %dma_wait3A_57 = arith.constant 0 : i32
        %dma_wait3A_58 = arith.constant 0 : i32
        %dma_wait3A_59 = tpu.memref_slice %arg8[%dma_wait3A_57, %dma_wait3A_58] : memref<10240x128xf32, #tpu.memory_space<vmem_shared>> -> memref<10240x128xf32, #tpu.memory_space<vmem_shared>>
        tpu.wait_indirect_dma semaphore(%arg9 : memref<!tpu.dma_semaphore, #tpu.memory_space<semaphore_mem>>) src(%arg7 : memref<128x128xf32, #tpu.memory_space<vmem>>) dst(%dma_wait3A_59 : memref<10240x128xf32, #tpu.memory_space<vmem_shared>>)
      } else {
      }
      %dma_start3A = arith.constant 0 : i32
      %dma_start3A_35 = tpu.memref_slice %arg6[%add3A_32, %dma_start3A] : memref<40x128xi32, #tpu.memory_space<vmem>> -> memref<1x128xi32, #tpu.memory_space<vmem>>
      %dma_start3A_36 = tpu.memref_squeeze %dma_start3A_35 : memref<1x128xi32, #tpu.memory_space<vmem>> -> memref<128xi32, #tpu.memory_space<vmem>>
      %dma_start3A_37 = arith.constant 0 : i32
      %dma_start3A_38 = arith.constant 0 : i32
      %dma_start3A_39 = tpu.memref_slice %arg8[%dma_start3A_37, %dma_start3A_38] : memref<10240x128xf32, #tpu.memory_space<vmem_shared>> -> memref<10240x128xf32, #tpu.memory_space<vmem_shared>>
      tpu.enqueue_indirect_dma source(%arg7 : memref<128x128xf32, #tpu.memory_space<vmem>>) target(%dma_start3A_39 : memref<10240x128xf32, #tpu.memory_space<vmem_shared>>) offsets(%dma_start3A_36 : memref<128xi32, #tpu.memory_space<vmem>>) semaphore(%arg9 : memref<!tpu.dma_semaphore, #tpu.memory_space<semaphore_mem>>) {add = true}
      %add3A_40 = arith.constant 1 : i32
      %add3A_41 = arith.addi %mul3A_30, %add3A_40 : i32
      %ge3A_42 = arith.constant 2 : i32
      %ge3A_43 = arith.cmpi sge, %add3A_41, %ge3A_42 : i32
      %convert_element_type3A_44 = arith.extui %ge3A_43 : i1 to i32
      %cond3A_45 = arith.constant 0 : i32
      %cond3A_46 = arith.cmpi ne, %convert_element_type3A_44, %cond3A_45 : i32
      scf.if %cond3A_46 {
        %sub3A = arith.constant 2 : i32
        %sub3A_53 = arith.subi %add3A_41, %sub3A : i32
        %dma_wait3A_54 = arith.constant 0 : i32
        %dma_wait3A_55 = tpu.memref_slice %arg6[%sub3A_53, %dma_wait3A_54] : memref<40x128xi32, #tpu.memory_space<vmem>> -> memref<1x128xi32, #tpu.memory_space<vmem>>
        %dma_wait3A_56 = tpu.memref_squeeze %dma_wait3A_55 : memref<1x128xi32, #tpu.memory_space<vmem>> -> memref<128xi32, #tpu.memory_space<vmem>>
        %dma_wait3A_57 = arith.constant 0 : i32
        %dma_wait3A_58 = arith.constant 0 : i32
        %dma_wait3A_59 = tpu.memref_slice %arg8[%dma_wait3A_57, %dma_wait3A_58] : memref<10240x128xf32, #tpu.memory_space<vmem_shared>> -> memref<10240x128xf32, #tpu.memory_space<vmem_shared>>
        tpu.wait_indirect_dma semaphore(%arg10 : memref<!tpu.dma_semaphore, #tpu.memory_space<semaphore_mem>>) src(%arg7 : memref<128x128xf32, #tpu.memory_space<vmem>>) dst(%dma_wait3A_59 : memref<10240x128xf32, #tpu.memory_space<vmem_shared>>)
      } else {
      }
      %dma_start3A_47 = arith.constant 0 : i32
      %dma_start3A_48 = tpu.memref_slice %arg6[%add3A_41, %dma_start3A_47] : memref<40x128xi32, #tpu.memory_space<vmem>> -> memref<1x128xi32, #tpu.memory_space<vmem>>
      %dma_start3A_49 = tpu.memref_squeeze %dma_start3A_48 : memref<1x128xi32, #tpu.memory_space<vmem>> -> memref<128xi32, #tpu.memory_space<vmem>>
      %dma_start3A_50 = arith.constant 0 : i32
      %dma_start3A_51 = arith.constant 0 : i32
      %dma_start3A_52 = tpu.memref_slice %arg8[%dma_start3A_50, %dma_start3A_51] : memref<10240x128xf32, #tpu.memory_space<vmem_shared>> -> memref<10240x128xf32, #tpu.memory_space<vmem_shared>>
      tpu.enqueue_indirect_dma source(%arg7 : memref<128x128xf32, #tpu.memory_space<vmem>>) target(%dma_start3A_52 : memref<10240x128xf32, #tpu.memory_space<vmem_shared>>) offsets(%dma_start3A_49 : memref<128xi32, #tpu.memory_space<vmem>>) semaphore(%arg10 : memref<!tpu.dma_semaphore, #tpu.memory_space<semaphore_mem>>) {add = true}
    }
    %scan3A_9 = arith.constant 20 : i32
    %dma_wait3A = arith.constant 38 : i32
    %dma_wait3A_10 = arith.constant 0 : i32
    %dma_wait3A_11 = tpu.memref_slice %arg6[%dma_wait3A, %dma_wait3A_10] : memref<40x128xi32, #tpu.memory_space<vmem>> -> memref<1x128xi32, #tpu.memory_space<vmem>>
    %dma_wait3A_12 = tpu.memref_squeeze %dma_wait3A_11 : memref<1x128xi32, #tpu.memory_space<vmem>> -> memref<128xi32, #tpu.memory_space<vmem>>
    %dma_wait3A_13 = arith.constant 0 : i32
    %dma_wait3A_14 = arith.constant 0 : i32
    %dma_wait3A_15 = tpu.memref_slice %arg8[%dma_wait3A_13, %dma_wait3A_14] : memref<10240x128xf32, #tpu.memory_space<vmem_shared>> -> memref<10240x128xf32, #tpu.memory_space<vmem_shared>>
    tpu.wait_indirect_dma semaphore(%arg9 : memref<!tpu.dma_semaphore, #tpu.memory_space<semaphore_mem>>) src(%arg7 : memref<128x128xf32, #tpu.memory_space<vmem>>) dst(%dma_wait3A_15 : memref<10240x128xf32, #tpu.memory_space<vmem_shared>>)
    %dma_wait3A_16 = arith.constant 39 : i32
    %dma_wait3A_17 = arith.constant 0 : i32
    %dma_wait3A_18 = tpu.memref_slice %arg6[%dma_wait3A_16, %dma_wait3A_17] : memref<40x128xi32, #tpu.memory_space<vmem>> -> memref<1x128xi32, #tpu.memory_space<vmem>>
    %dma_wait3A_19 = tpu.memref_squeeze %dma_wait3A_18 : memref<1x128xi32, #tpu.memory_space<vmem>> -> memref<128xi32, #tpu.memory_space<vmem>>
    %dma_wait3A_20 = arith.constant 0 : i32
    %dma_wait3A_21 = arith.constant 0 : i32
    %dma_wait3A_22 = tpu.memref_slice %arg8[%dma_wait3A_20, %dma_wait3A_21] : memref<10240x128xf32, #tpu.memory_space<vmem_shared>> -> memref<10240x128xf32, #tpu.memory_space<vmem_shared>>
    tpu.wait_indirect_dma semaphore(%arg10 : memref<!tpu.dma_semaphore, #tpu.memory_space<semaphore_mem>>) src(%arg7 : memref<128x128xf32, #tpu.memory_space<vmem>>) dst(%dma_wait3A_22 : memref<10240x128xf32, #tpu.memory_space<vmem_shared>>)
    %barrier3A_23 = arith.constant 0 : index
    tpu.barrier barrier_id(%barrier3A_23)
    %mul3A_24 = arith.constant 640 : i32
    %mul3A_25 = arith.muli %arg1, %mul3A_24 : i32
    %mul3A_26 = arith.constant 640 : i32
    %mul3A_27 = arith.muli %arg1, %mul3A_26 : i32
    "tpu.region"() ({
      %run_scoped3A = tpu.sem_alloc : memref<!tpu.dma_semaphore, #tpu.memory_space<semaphore_mem>>
      %dma_start3A = arith.constant 0 : i32
      %dma_start3A_28 = tpu.memref_slice %arg5[%arg0, %mul3A_27, %dma_start3A] : memref<2x10240x128xf32, #tpu.memory_space<hbm>> -> memref<1x640x128xf32, #tpu.memory_space<hbm>>
      %dma_start3A_29 = tpu.memref_squeeze %dma_start3A_28 : memref<1x640x128xf32, #tpu.memory_space<hbm>> -> memref<640x128xf32, #tpu.memory_space<hbm>>
      %dma_start3A_30 = arith.constant 0 : i32
      %dma_start3A_31 = tpu.memref_slice %arg8[%mul3A_25, %dma_start3A_30] : memref<10240x128xf32, #tpu.memory_space<vmem_shared>> -> memref<640x128xf32, #tpu.memory_space<vmem_shared>>
      tpu.enqueue_dma source(%dma_start3A_31 : memref<640x128xf32, #tpu.memory_space<vmem_shared>>) target(%dma_start3A_29 : memref<640x128xf32, #tpu.memory_space<hbm>>) target_semaphore(%run_scoped3A : memref<!tpu.dma_semaphore, #tpu.memory_space<semaphore_mem>>)
      %dma_wait3A_32 = arith.constant 0 : i32
      %dma_wait3A_33 = tpu.memref_slice %arg5[%arg0, %mul3A_27, %dma_wait3A_32] : memref<2x10240x128xf32, #tpu.memory_space<hbm>> -> memref<1x640x128xf32, #tpu.memory_space<hbm>>
      %dma_wait3A_34 = tpu.memref_squeeze %dma_wait3A_33 : memref<1x640x128xf32, #tpu.memory_space<hbm>> -> memref<640x128xf32, #tpu.memory_space<hbm>>
      %dma_wait3A_35 = arith.constant 0 : i32
      %dma_wait3A_36 = tpu.memref_slice %arg8[%mul3A_25, %dma_wait3A_35] : memref<10240x128xf32, #tpu.memory_space<vmem_shared>> -> memref<640x128xf32, #tpu.memory_space<vmem_shared>>
      tpu.wait_dma2 semaphore(%run_scoped3A : memref<!tpu.dma_semaphore, #tpu.memory_space<semaphore_mem>>) src(%dma_wait3A_36 : memref<640x128xf32, #tpu.memory_space<vmem_shared>>) dst(%dma_wait3A_34 : memref<640x128xf32, #tpu.memory_space<hbm>>)
      tpu.yield
    }) : () -> ()
    return
  }
}

#map = affine_map<(d0, d1) -> (0, 0)>
#map1 = affine_map<(d0, d1) -> (0, 0, 0)>
module attributes {stable_mosaic.version = 14 : i64} {
  func.func @body(%arg0: i32, %arg1: i32, %arg2: memref<10240x128xf32, #tpu.memory_space<hbm>>, %arg3: memref<32x40x128xi32, #tpu.memory_space<hbm>>, %arg4: memref<32x40x128xi32, #tpu.memory_space<hbm>>, %arg5: memref<10240x128xf32, #tpu.memory_space<hbm>>, %arg6: memref<2x10240x128xf32, #tpu.memory_space<hbm>>, %arg7: memref<40x128xi32, #tpu.memory_space<vmem>>, %arg8: memref<40x128xi32, #tpu.memory_space<vmem>>, %arg9: memref<128x128xf32, #tpu.memory_space<vmem>>, %arg10: memref<128x128xf32, #tpu.memory_space<vmem>>, %arg11: memref<10240x128xf32, #tpu.memory_space<vmem_shared>>, %arg12: memref<!tpu.dma_semaphore, #tpu.memory_space<semaphore_mem>>, %arg13: memref<!tpu.dma_semaphore, #tpu.memory_space<semaphore_mem>>, %arg14: memref<!tpu.dma_semaphore, #tpu.memory_space<semaphore_mem>>) attributes {dimension_semantics = [#tpu.dimension_semantics<core_parallel>, #tpu.dimension_semantics<subcore_parallel>], iteration_bounds = array<i64: 2, 16>, scalar_prefetch = 0 : i64, scratch_operands = 8 : i64, tpu.core_type = #tpu.core_type<sc_vector_subcore>, window_params = [{transform_indices = #map}, {transform_indices = #map1}, {transform_indices = #map1}, {transform_indices = #map}, {transform_indices = #map1}]} {
    %mul3A = arith.constant 2 : i32
    %mul3A_0 = arith.muli %arg1, %mul3A : i32
    %add3A = arith.addi %mul3A_0, %arg0 : i32
    %scan3A = arith.constant 0 : i32
    %scan3A_1 = arith.constant 0 : i32
    %scan3A_2 = arith.constant 5 : i32
    %scan3A_3 = arith.addi %scan3A_1, %scan3A_2 : i32
    %scan3A_4 = arith.constant 1 : i32
    scf.for %scan3A_64 = %scan3A_1 to %scan3A_3 step %scan3A_4  : i32 {
      %mul3A_65 = arith.constant 640 : i32
      %mul3A_66 = arith.muli %arg1, %mul3A_65 : i32
      %mul3A_67 = arith.constant 128 : i32
      %mul3A_68 = arith.muli %scan3A_64, %mul3A_67 : i32
      %add3A_69 = arith.addi %mul3A_66, %mul3A_68 : i32
      "tpu.region"() ({
        %run_scoped3A = tpu.sem_alloc : memref<!tpu.dma_semaphore, #tpu.memory_space<semaphore_mem>>
        %dma_start3A_70 = arith.constant 0 : i32
        %dma_start3A_71 = tpu.memref_slice %arg11[%add3A_69, %dma_start3A_70] : memref<10240x128xf32, #tpu.memory_space<vmem_shared>> -> memref<128x128xf32, #tpu.memory_space<vmem_shared>>
        %dma_start3A_72 = arith.constant 0 : i32
        %dma_start3A_73 = tpu.memref_slice %arg5[%add3A_69, %dma_start3A_72] : memref<10240x128xf32, #tpu.memory_space<hbm>> -> memref<128x128xf32, #tpu.memory_space<hbm>>
        tpu.enqueue_dma source(%dma_start3A_73 : memref<128x128xf32, #tpu.memory_space<hbm>>) target(%dma_start3A_71 : memref<128x128xf32, #tpu.memory_space<vmem_shared>>) target_semaphore(%run_scoped3A : memref<!tpu.dma_semaphore, #tpu.memory_space<semaphore_mem>>)
        %dma_wait3A_74 = arith.constant 0 : i32
        %dma_wait3A_75 = tpu.memref_slice %arg11[%add3A_69, %dma_wait3A_74] : memref<10240x128xf32, #tpu.memory_space<vmem_shared>> -> memref<128x128xf32, #tpu.memory_space<vmem_shared>>
        %dma_wait3A_76 = arith.constant 0 : i32
        %dma_wait3A_77 = tpu.memref_slice %arg5[%add3A_69, %dma_wait3A_76] : memref<10240x128xf32, #tpu.memory_space<hbm>> -> memref<128x128xf32, #tpu.memory_space<hbm>>
        tpu.wait_dma2 semaphore(%run_scoped3A : memref<!tpu.dma_semaphore, #tpu.memory_space<semaphore_mem>>) src(%dma_wait3A_77 : memref<128x128xf32, #tpu.memory_space<hbm>>) dst(%dma_wait3A_75 : memref<128x128xf32, #tpu.memory_space<vmem_shared>>)
        tpu.yield
      }) : () -> ()
    }
    %scan3A_5 = arith.constant 5 : i32
    "tpu.region"() ({
      %run_scoped3A = tpu.sem_alloc : memref<!tpu.dma_semaphore, #tpu.memory_space<semaphore_mem>>
      %dma_start3A_64 = arith.constant 0 : i32
      %dma_start3A_65 = arith.constant 0 : i32
      %dma_start3A_66 = tpu.memref_slice %arg3[%add3A, %dma_start3A_64, %dma_start3A_65] : memref<32x40x128xi32, #tpu.memory_space<hbm>> -> memref<1x40x128xi32, #tpu.memory_space<hbm>>
      %dma_start3A_67 = tpu.memref_squeeze %dma_start3A_66 : memref<1x40x128xi32, #tpu.memory_space<hbm>> -> memref<40x128xi32, #tpu.memory_space<hbm>>
      %dma_start3A_68 = arith.constant 0 : i32
      %dma_start3A_69 = arith.constant 0 : i32
      %dma_start3A_70 = tpu.memref_slice %arg3[%add3A, %dma_start3A_68, %dma_start3A_69] : memref<32x40x128xi32, #tpu.memory_space<hbm>> -> memref<1x40x128xi32, #tpu.memory_space<hbm>>
      %dma_start3A_71 = tpu.memref_squeeze %dma_start3A_70 : memref<1x40x128xi32, #tpu.memory_space<hbm>> -> memref<40x128xi32, #tpu.memory_space<hbm>>
      tpu.enqueue_dma source(%dma_start3A_71 : memref<40x128xi32, #tpu.memory_space<hbm>>) target(%arg7 : memref<40x128xi32, #tpu.memory_space<vmem>>) target_semaphore(%run_scoped3A : memref<!tpu.dma_semaphore, #tpu.memory_space<semaphore_mem>>)
      %dma_wait3A_72 = arith.constant 0 : i32
      %dma_wait3A_73 = arith.constant 0 : i32
      %dma_wait3A_74 = tpu.memref_slice %arg3[%add3A, %dma_wait3A_72, %dma_wait3A_73] : memref<32x40x128xi32, #tpu.memory_space<hbm>> -> memref<1x40x128xi32, #tpu.memory_space<hbm>>
      %dma_wait3A_75 = tpu.memref_squeeze %dma_wait3A_74 : memref<1x40x128xi32, #tpu.memory_space<hbm>> -> memref<40x128xi32, #tpu.memory_space<hbm>>
      %dma_wait3A_76 = arith.constant 0 : i32
      %dma_wait3A_77 = arith.constant 0 : i32
      %dma_wait3A_78 = tpu.memref_slice %arg3[%add3A, %dma_wait3A_76, %dma_wait3A_77] : memref<32x40x128xi32, #tpu.memory_space<hbm>> -> memref<1x40x128xi32, #tpu.memory_space<hbm>>
      %dma_wait3A_79 = tpu.memref_squeeze %dma_wait3A_78 : memref<1x40x128xi32, #tpu.memory_space<hbm>> -> memref<40x128xi32, #tpu.memory_space<hbm>>
      tpu.wait_dma2 semaphore(%run_scoped3A : memref<!tpu.dma_semaphore, #tpu.memory_space<semaphore_mem>>) src(%dma_wait3A_79 : memref<40x128xi32, #tpu.memory_space<hbm>>) dst(%arg7 : memref<40x128xi32, #tpu.memory_space<vmem>>)
      tpu.yield
    }) : () -> ()
    "tpu.region"() ({
      %run_scoped3A = tpu.sem_alloc : memref<!tpu.dma_semaphore, #tpu.memory_space<semaphore_mem>>
      %dma_start3A_64 = arith.constant 0 : i32
      %dma_start3A_65 = arith.constant 0 : i32
      %dma_start3A_66 = tpu.memref_slice %arg4[%add3A, %dma_start3A_64, %dma_start3A_65] : memref<32x40x128xi32, #tpu.memory_space<hbm>> -> memref<1x40x128xi32, #tpu.memory_space<hbm>>
      %dma_start3A_67 = tpu.memref_squeeze %dma_start3A_66 : memref<1x40x128xi32, #tpu.memory_space<hbm>> -> memref<40x128xi32, #tpu.memory_space<hbm>>
      %dma_start3A_68 = arith.constant 0 : i32
      %dma_start3A_69 = arith.constant 0 : i32
      %dma_start3A_70 = tpu.memref_slice %arg4[%add3A, %dma_start3A_68, %dma_start3A_69] : memref<32x40x128xi32, #tpu.memory_space<hbm>> -> memref<1x40x128xi32, #tpu.memory_space<hbm>>
      %dma_start3A_71 = tpu.memref_squeeze %dma_start3A_70 : memref<1x40x128xi32, #tpu.memory_space<hbm>> -> memref<40x128xi32, #tpu.memory_space<hbm>>
      tpu.enqueue_dma source(%dma_start3A_71 : memref<40x128xi32, #tpu.memory_space<hbm>>) target(%arg8 : memref<40x128xi32, #tpu.memory_space<vmem>>) target_semaphore(%run_scoped3A : memref<!tpu.dma_semaphore, #tpu.memory_space<semaphore_mem>>)
      %dma_wait3A_72 = arith.constant 0 : i32
      %dma_wait3A_73 = arith.constant 0 : i32
      %dma_wait3A_74 = tpu.memref_slice %arg4[%add3A, %dma_wait3A_72, %dma_wait3A_73] : memref<32x40x128xi32, #tpu.memory_space<hbm>> -> memref<1x40x128xi32, #tpu.memory_space<hbm>>
      %dma_wait3A_75 = tpu.memref_squeeze %dma_wait3A_74 : memref<1x40x128xi32, #tpu.memory_space<hbm>> -> memref<40x128xi32, #tpu.memory_space<hbm>>
      %dma_wait3A_76 = arith.constant 0 : i32
      %dma_wait3A_77 = arith.constant 0 : i32
      %dma_wait3A_78 = tpu.memref_slice %arg4[%add3A, %dma_wait3A_76, %dma_wait3A_77] : memref<32x40x128xi32, #tpu.memory_space<hbm>> -> memref<1x40x128xi32, #tpu.memory_space<hbm>>
      %dma_wait3A_79 = tpu.memref_squeeze %dma_wait3A_78 : memref<1x40x128xi32, #tpu.memory_space<hbm>> -> memref<40x128xi32, #tpu.memory_space<hbm>>
      tpu.wait_dma2 semaphore(%run_scoped3A : memref<!tpu.dma_semaphore, #tpu.memory_space<semaphore_mem>>) src(%dma_wait3A_79 : memref<40x128xi32, #tpu.memory_space<hbm>>) dst(%arg8 : memref<40x128xi32, #tpu.memory_space<vmem>>)
      tpu.yield
    }) : () -> ()
    %barrier3A = arith.constant 0 : index
    tpu.barrier barrier_id(%barrier3A)
    %dma_start3A = arith.constant 0 : i32
    %dma_start3A_6 = arith.constant 0 : i32
    %dma_start3A_7 = arith.constant 0 : i32
    %dma_start3A_8 = tpu.memref_slice %arg9[%dma_start3A_6, %dma_start3A_7] : memref<128x128xf32, #tpu.memory_space<vmem>> -> memref<64x128xf32, #tpu.memory_space<vmem>>
    %dma_start3A_9 = arith.constant 0 : i32
    %dma_start3A_10 = tpu.memref_slice %arg7[%dma_start3A, %dma_start3A_9] : memref<40x128xi32, #tpu.memory_space<vmem>> -> memref<1x64xi32, #tpu.memory_space<vmem>>
    %dma_start3A_11 = tpu.memref_squeeze %dma_start3A_10 : memref<1x64xi32, #tpu.memory_space<vmem>> -> memref<64xi32, #tpu.memory_space<vmem>>
    %dma_start3A_12 = arith.constant 0 : i32
    %dma_start3A_13 = arith.constant 0 : i32
    %dma_start3A_14 = tpu.memref_slice %arg2[%dma_start3A_12, %dma_start3A_13] : memref<10240x128xf32, #tpu.memory_space<hbm>> -> memref<10240x128xf32, #tpu.memory_space<hbm>>
    tpu.enqueue_indirect_dma source(%dma_start3A_14 : memref<10240x128xf32, #tpu.memory_space<hbm>>) target(%dma_start3A_8 : memref<64x128xf32, #tpu.memory_space<vmem>>) offsets(%dma_start3A_11 : memref<64xi32, #tpu.memory_space<vmem>>) semaphore(%arg12 : memref<!tpu.dma_semaphore, #tpu.memory_space<semaphore_mem>>)
    %dma_start3A_15 = arith.constant 0 : i32
    %dma_start3A_16 = arith.constant 64 : i32
    %dma_start3A_17 = arith.constant 0 : i32
    %dma_start3A_18 = tpu.memref_slice %arg9[%dma_start3A_16, %dma_start3A_17] : memref<128x128xf32, #tpu.memory_space<vmem>> -> memref<64x128xf32, #tpu.memory_space<vmem>>
    %dma_start3A_19 = arith.constant 64 : i32
    %dma_start3A_20 = tpu.memref_slice %arg7[%dma_start3A_15, %dma_start3A_19] : memref<40x128xi32, #tpu.memory_space<vmem>> -> memref<1x64xi32, #tpu.memory_space<vmem>>
    %dma_start3A_21 = tpu.memref_squeeze %dma_start3A_20 : memref<1x64xi32, #tpu.memory_space<vmem>> -> memref<64xi32, #tpu.memory_space<vmem>>
    %dma_start3A_22 = arith.constant 0 : i32
    %dma_start3A_23 = arith.constant 0 : i32
    %dma_start3A_24 = tpu.memref_slice %arg2[%dma_start3A_22, %dma_start3A_23] : memref<10240x128xf32, #tpu.memory_space<hbm>> -> memref<10240x128xf32, #tpu.memory_space<hbm>>
    tpu.enqueue_indirect_dma source(%dma_start3A_24 : memref<10240x128xf32, #tpu.memory_space<hbm>>) target(%dma_start3A_18 : memref<64x128xf32, #tpu.memory_space<vmem>>) offsets(%dma_start3A_21 : memref<64xi32, #tpu.memory_space<vmem>>) semaphore(%arg12 : memref<!tpu.dma_semaphore, #tpu.memory_space<semaphore_mem>>)
    %dma_start3A_25 = arith.constant 1 : i32
    %dma_start3A_26 = arith.constant 0 : i32
    %dma_start3A_27 = arith.constant 0 : i32
    %dma_start3A_28 = tpu.memref_slice %arg10[%dma_start3A_26, %dma_start3A_27] : memref<128x128xf32, #tpu.memory_space<vmem>> -> memref<64x128xf32, #tpu.memory_space<vmem>>
    %dma_start3A_29 = arith.constant 0 : i32
    %dma_start3A_30 = tpu.memref_slice %arg7[%dma_start3A_25, %dma_start3A_29] : memref<40x128xi32, #tpu.memory_space<vmem>> -> memref<1x64xi32, #tpu.memory_space<vmem>>
    %dma_start3A_31 = tpu.memref_squeeze %dma_start3A_30 : memref<1x64xi32, #tpu.memory_space<vmem>> -> memref<64xi32, #tpu.memory_space<vmem>>
    %dma_start3A_32 = arith.constant 0 : i32
    %dma_start3A_33 = arith.constant 0 : i32
    %dma_start3A_34 = tpu.memref_slice %arg2[%dma_start3A_32, %dma_start3A_33] : memref<10240x128xf32, #tpu.memory_space<hbm>> -> memref<10240x128xf32, #tpu.memory_space<hbm>>
    tpu.enqueue_indirect_dma source(%dma_start3A_34 : memref<10240x128xf32, #tpu.memory_space<hbm>>) target(%dma_start3A_28 : memref<64x128xf32, #tpu.memory_space<vmem>>) offsets(%dma_start3A_31 : memref<64xi32, #tpu.memory_space<vmem>>) semaphore(%arg13 : memref<!tpu.dma_semaphore, #tpu.memory_space<semaphore_mem>>)
    %dma_start3A_35 = arith.constant 1 : i32
    %dma_start3A_36 = arith.constant 64 : i32
    %dma_start3A_37 = arith.constant 0 : i32
    %dma_start3A_38 = tpu.memref_slice %arg10[%dma_start3A_36, %dma_start3A_37] : memref<128x128xf32, #tpu.memory_space<vmem>> -> memref<64x128xf32, #tpu.memory_space<vmem>>
    %dma_start3A_39 = arith.constant 64 : i32
    %dma_start3A_40 = tpu.memref_slice %arg7[%dma_start3A_35, %dma_start3A_39] : memref<40x128xi32, #tpu.memory_space<vmem>> -> memref<1x64xi32, #tpu.memory_space<vmem>>
    %dma_start3A_41 = tpu.memref_squeeze %dma_start3A_40 : memref<1x64xi32, #tpu.memory_space<vmem>> -> memref<64xi32, #tpu.memory_space<vmem>>
    %dma_start3A_42 = arith.constant 0 : i32
    %dma_start3A_43 = arith.constant 0 : i32
    %dma_start3A_44 = tpu.memref_slice %arg2[%dma_start3A_42, %dma_start3A_43] : memref<10240x128xf32, #tpu.memory_space<hbm>> -> memref<10240x128xf32, #tpu.memory_space<hbm>>
    tpu.enqueue_indirect_dma source(%dma_start3A_44 : memref<10240x128xf32, #tpu.memory_space<hbm>>) target(%dma_start3A_38 : memref<64x128xf32, #tpu.memory_space<vmem>>) offsets(%dma_start3A_41 : memref<64xi32, #tpu.memory_space<vmem>>) semaphore(%arg13 : memref<!tpu.dma_semaphore, #tpu.memory_space<semaphore_mem>>)
    %scan3A_45 = arith.constant 0 : i32
    %scan3A_46 = arith.constant 0 : i32
    %scan3A_47 = arith.constant 20 : i32
    %scan3A_48 = arith.addi %scan3A_46, %scan3A_47 : i32
    %scan3A_49 = arith.constant 1 : i32
    scf.for %scan3A_64 = %scan3A_46 to %scan3A_48 step %scan3A_49  : i32 {
      %mul3A_65 = arith.constant 2 : i32
      %mul3A_66 = arith.muli %scan3A_64, %mul3A_65 : i32
      %add3A_67 = arith.constant 0 : i32
      %add3A_68 = arith.addi %mul3A_66, %add3A_67 : i32
      %dma_wait3A_69 = arith.constant 0 : i32
      %dma_wait3A_70 = tpu.memref_slice %arg7[%add3A_68, %dma_wait3A_69] : memref<40x128xi32, #tpu.memory_space<vmem>> -> memref<1x128xi32, #tpu.memory_space<vmem>>
      %dma_wait3A_71 = tpu.memref_squeeze %dma_wait3A_70 : memref<1x128xi32, #tpu.memory_space<vmem>> -> memref<128xi32, #tpu.memory_space<vmem>>
      %dma_wait3A_72 = arith.constant 0 : i32
      %dma_wait3A_73 = arith.constant 0 : i32
      %dma_wait3A_74 = tpu.memref_slice %arg2[%dma_wait3A_72, %dma_wait3A_73] : memref<10240x128xf32, #tpu.memory_space<hbm>> -> memref<10240x128xf32, #tpu.memory_space<hbm>>
      tpu.wait_indirect_dma semaphore(%arg12 : memref<!tpu.dma_semaphore, #tpu.memory_space<semaphore_mem>>) src(%dma_wait3A_74 : memref<10240x128xf32, #tpu.memory_space<hbm>>) dst(%arg9 : memref<128x128xf32, #tpu.memory_space<vmem>>)
      %ge3A = arith.constant 1 : i32
      %ge3A_75 = arith.cmpi sge, %add3A_68, %ge3A : i32
      %convert_element_type3A = arith.extui %ge3A_75 : i1 to i32
      %cond3A = arith.constant 0 : i32
      %cond3A_76 = arith.cmpi ne, %convert_element_type3A, %cond3A : i32
      scf.if %cond3A_76 {
        %sub3A_123 = arith.constant 1 : i32
        %sub3A_124 = arith.subi %add3A_68, %sub3A_123 : i32
        %dma_wait3A_125 = arith.constant 0 : i32
        %dma_wait3A_126 = tpu.memref_slice %arg8[%sub3A_124, %dma_wait3A_125] : memref<40x128xi32, #tpu.memory_space<vmem>> -> memref<1x128xi32, #tpu.memory_space<vmem>>
        %dma_wait3A_127 = tpu.memref_squeeze %dma_wait3A_126 : memref<1x128xi32, #tpu.memory_space<vmem>> -> memref<128xi32, #tpu.memory_space<vmem>>
        %dma_wait3A_128 = arith.constant 0 : i32
        %dma_wait3A_129 = arith.constant 0 : i32
        %dma_wait3A_130 = tpu.memref_slice %arg11[%dma_wait3A_128, %dma_wait3A_129] : memref<10240x128xf32, #tpu.memory_space<vmem_shared>> -> memref<10240x128xf32, #tpu.memory_space<vmem_shared>>
        tpu.wait_indirect_dma semaphore(%arg14 : memref<!tpu.dma_semaphore, #tpu.memory_space<semaphore_mem>>) src(%arg10 : memref<128x128xf32, #tpu.memory_space<vmem>>) dst(%dma_wait3A_130 : memref<10240x128xf32, #tpu.memory_space<vmem_shared>>)
      } else {
      }
      %dma_start3A_77 = arith.constant 0 : i32
      %dma_start3A_78 = tpu.memref_slice %arg8[%add3A_68, %dma_start3A_77] : memref<40x128xi32, #tpu.memory_space<vmem>> -> memref<1x128xi32, #tpu.memory_space<vmem>>
      %dma_start3A_79 = tpu.memref_squeeze %dma_start3A_78 : memref<1x128xi32, #tpu.memory_space<vmem>> -> memref<128xi32, #tpu.memory_space<vmem>>
      %dma_start3A_80 = arith.constant 0 : i32
      %dma_start3A_81 = arith.constant 0 : i32
      %dma_start3A_82 = tpu.memref_slice %arg11[%dma_start3A_80, %dma_start3A_81] : memref<10240x128xf32, #tpu.memory_space<vmem_shared>> -> memref<10240x128xf32, #tpu.memory_space<vmem_shared>>
      tpu.enqueue_indirect_dma source(%arg9 : memref<128x128xf32, #tpu.memory_space<vmem>>) target(%dma_start3A_82 : memref<10240x128xf32, #tpu.memory_space<vmem_shared>>) offsets(%dma_start3A_79 : memref<128xi32, #tpu.memory_space<vmem>>) semaphore(%arg14 : memref<!tpu.dma_semaphore, #tpu.memory_space<semaphore_mem>>) {add = true}
      %ge3A_83 = arith.constant 1 : i32
      %ge3A_84 = arith.cmpi sge, %add3A_68, %ge3A_83 : i32
      %add3A_85 = arith.constant 2 : i32
      %add3A_86 = arith.addi %add3A_68, %add3A_85 : i32
      %sub3A = arith.constant 1 : i32
      %sub3A_87 = arith.subi %add3A_86, %sub3A : i32
      %lt3A = arith.constant 40 : i32
      %lt3A_88 = arith.cmpi slt, %sub3A_87, %lt3A : i32
      %and3A = arith.andi %ge3A_84, %lt3A_88 : i1
      %convert_element_type3A_89 = arith.extui %and3A : i1 to i32
      %cond3A_90 = arith.constant 0 : i32
      %cond3A_91 = arith.cmpi ne, %convert_element_type3A_89, %cond3A_90 : i32
      scf.if %cond3A_91 {
        %add3A_123 = arith.constant 2 : i32
        %add3A_124 = arith.addi %add3A_68, %add3A_123 : i32
        %sub3A_125 = arith.constant 1 : i32
        %sub3A_126 = arith.subi %add3A_124, %sub3A_125 : i32
        %dma_start3A_127 = arith.constant 0 : i32
        %dma_start3A_128 = arith.constant 0 : i32
        %dma_start3A_129 = tpu.memref_slice %arg10[%dma_start3A_127, %dma_start3A_128] : memref<128x128xf32, #tpu.memory_space<vmem>> -> memref<64x128xf32, #tpu.memory_space<vmem>>
        %dma_start3A_130 = arith.constant 0 : i32
        %dma_start3A_131 = tpu.memref_slice %arg7[%sub3A_126, %dma_start3A_130] : memref<40x128xi32, #tpu.memory_space<vmem>> -> memref<1x64xi32, #tpu.memory_space<vmem>>
        %dma_start3A_132 = tpu.memref_squeeze %dma_start3A_131 : memref<1x64xi32, #tpu.memory_space<vmem>> -> memref<64xi32, #tpu.memory_space<vmem>>
        %dma_start3A_133 = arith.constant 0 : i32
        %dma_start3A_134 = arith.constant 0 : i32
        %dma_start3A_135 = tpu.memref_slice %arg2[%dma_start3A_133, %dma_start3A_134] : memref<10240x128xf32, #tpu.memory_space<hbm>> -> memref<10240x128xf32, #tpu.memory_space<hbm>>
        tpu.enqueue_indirect_dma source(%dma_start3A_135 : memref<10240x128xf32, #tpu.memory_space<hbm>>) target(%dma_start3A_129 : memref<64x128xf32, #tpu.memory_space<vmem>>) offsets(%dma_start3A_132 : memref<64xi32, #tpu.memory_space<vmem>>) semaphore(%arg13 : memref<!tpu.dma_semaphore, #tpu.memory_space<semaphore_mem>>)
        %dma_start3A_136 = arith.constant 64 : i32
        %dma_start3A_137 = arith.constant 0 : i32
        %dma_start3A_138 = tpu.memref_slice %arg10[%dma_start3A_136, %dma_start3A_137] : memref<128x128xf32, #tpu.memory_space<vmem>> -> memref<64x128xf32, #tpu.memory_space<vmem>>
        %dma_start3A_139 = arith.constant 64 : i32
        %dma_start3A_140 = tpu.memref_slice %arg7[%sub3A_126, %dma_start3A_139] : memref<40x128xi32, #tpu.memory_space<vmem>> -> memref<1x64xi32, #tpu.memory_space<vmem>>
        %dma_start3A_141 = tpu.memref_squeeze %dma_start3A_140 : memref<1x64xi32, #tpu.memory_space<vmem>> -> memref<64xi32, #tpu.memory_space<vmem>>
        %dma_start3A_142 = arith.constant 0 : i32
        %dma_start3A_143 = arith.constant 0 : i32
        %dma_start3A_144 = tpu.memref_slice %arg2[%dma_start3A_142, %dma_start3A_143] : memref<10240x128xf32, #tpu.memory_space<hbm>> -> memref<10240x128xf32, #tpu.memory_space<hbm>>
        tpu.enqueue_indirect_dma source(%dma_start3A_144 : memref<10240x128xf32, #tpu.memory_space<hbm>>) target(%dma_start3A_138 : memref<64x128xf32, #tpu.memory_space<vmem>>) offsets(%dma_start3A_141 : memref<64xi32, #tpu.memory_space<vmem>>) semaphore(%arg13 : memref<!tpu.dma_semaphore, #tpu.memory_space<semaphore_mem>>)
      } else {
      }
      %add3A_92 = arith.constant 1 : i32
      %add3A_93 = arith.addi %mul3A_66, %add3A_92 : i32
      %dma_wait3A_94 = arith.constant 0 : i32
      %dma_wait3A_95 = tpu.memref_slice %arg7[%add3A_93, %dma_wait3A_94] : memref<40x128xi32, #tpu.memory_space<vmem>> -> memref<1x128xi32, #tpu.memory_space<vmem>>
      %dma_wait3A_96 = tpu.memref_squeeze %dma_wait3A_95 : memref<1x128xi32, #tpu.memory_space<vmem>> -> memref<128xi32, #tpu.memory_space<vmem>>
      %dma_wait3A_97 = arith.constant 0 : i32
      %dma_wait3A_98 = arith.constant 0 : i32
      %dma_wait3A_99 = tpu.memref_slice %arg2[%dma_wait3A_97, %dma_wait3A_98] : memref<10240x128xf32, #tpu.memory_space<hbm>> -> memref<10240x128xf32, #tpu.memory_space<hbm>>
      tpu.wait_indirect_dma semaphore(%arg13 : memref<!tpu.dma_semaphore, #tpu.memory_space<semaphore_mem>>) src(%dma_wait3A_99 : memref<10240x128xf32, #tpu.memory_space<hbm>>) dst(%arg10 : memref<128x128xf32, #tpu.memory_space<vmem>>)
      %ge3A_100 = arith.constant 1 : i32
      %ge3A_101 = arith.cmpi sge, %add3A_93, %ge3A_100 : i32
      %convert_element_type3A_102 = arith.extui %ge3A_101 : i1 to i32
      %cond3A_103 = arith.constant 0 : i32
      %cond3A_104 = arith.cmpi ne, %convert_element_type3A_102, %cond3A_103 : i32
      scf.if %cond3A_104 {
        %sub3A_123 = arith.constant 1 : i32
        %sub3A_124 = arith.subi %add3A_93, %sub3A_123 : i32
        %dma_wait3A_125 = arith.constant 0 : i32
        %dma_wait3A_126 = tpu.memref_slice %arg8[%sub3A_124, %dma_wait3A_125] : memref<40x128xi32, #tpu.memory_space<vmem>> -> memref<1x128xi32, #tpu.memory_space<vmem>>
        %dma_wait3A_127 = tpu.memref_squeeze %dma_wait3A_126 : memref<1x128xi32, #tpu.memory_space<vmem>> -> memref<128xi32, #tpu.memory_space<vmem>>
        %dma_wait3A_128 = arith.constant 0 : i32
        %dma_wait3A_129 = arith.constant 0 : i32
        %dma_wait3A_130 = tpu.memref_slice %arg11[%dma_wait3A_128, %dma_wait3A_129] : memref<10240x128xf32, #tpu.memory_space<vmem_shared>> -> memref<10240x128xf32, #tpu.memory_space<vmem_shared>>
        tpu.wait_indirect_dma semaphore(%arg14 : memref<!tpu.dma_semaphore, #tpu.memory_space<semaphore_mem>>) src(%arg9 : memref<128x128xf32, #tpu.memory_space<vmem>>) dst(%dma_wait3A_130 : memref<10240x128xf32, #tpu.memory_space<vmem_shared>>)
      } else {
      }
      %dma_start3A_105 = arith.constant 0 : i32
      %dma_start3A_106 = tpu.memref_slice %arg8[%add3A_93, %dma_start3A_105] : memref<40x128xi32, #tpu.memory_space<vmem>> -> memref<1x128xi32, #tpu.memory_space<vmem>>
      %dma_start3A_107 = tpu.memref_squeeze %dma_start3A_106 : memref<1x128xi32, #tpu.memory_space<vmem>> -> memref<128xi32, #tpu.memory_space<vmem>>
      %dma_start3A_108 = arith.constant 0 : i32
      %dma_start3A_109 = arith.constant 0 : i32
      %dma_start3A_110 = tpu.memref_slice %arg11[%dma_start3A_108, %dma_start3A_109] : memref<10240x128xf32, #tpu.memory_space<vmem_shared>> -> memref<10240x128xf32, #tpu.memory_space<vmem_shared>>
      tpu.enqueue_indirect_dma source(%arg10 : memref<128x128xf32, #tpu.memory_space<vmem>>) target(%dma_start3A_110 : memref<10240x128xf32, #tpu.memory_space<vmem_shared>>) offsets(%dma_start3A_107 : memref<128xi32, #tpu.memory_space<vmem>>) semaphore(%arg14 : memref<!tpu.dma_semaphore, #tpu.memory_space<semaphore_mem>>) {add = true}
      %ge3A_111 = arith.constant 1 : i32
      %ge3A_112 = arith.cmpi sge, %add3A_93, %ge3A_111 : i32
      %add3A_113 = arith.constant 2 : i32
      %add3A_114 = arith.addi %add3A_93, %add3A_113 : i32
      %sub3A_115 = arith.constant 1 : i32
      %sub3A_116 = arith.subi %add3A_114, %sub3A_115 : i32
      %lt3A_117 = arith.constant 40 : i32
      %lt3A_118 = arith.cmpi slt, %sub3A_116, %lt3A_117 : i32
      %and3A_119 = arith.andi %ge3A_112, %lt3A_118 : i1
      %convert_element_type3A_120 = arith.extui %and3A_119 : i1 to i32
      %cond3A_121 = arith.constant 0 : i32
      %cond3A_122 = arith.cmpi ne, %convert_element_type3A_120, %cond3A_121 : i32
      scf.if %cond3A_122 {
        %add3A_123 = arith.constant 2 : i32
        %add3A_124 = arith.addi %add3A_93, %add3A_123 : i32
        %sub3A_125 = arith.constant 1 : i32
        %sub3A_126 = arith.subi %add3A_124, %sub3A_125 : i32
        %dma_start3A_127 = arith.constant 0 : i32
        %dma_start3A_128 = arith.constant 0 : i32
        %dma_start3A_129 = tpu.memref_slice %arg9[%dma_start3A_127, %dma_start3A_128] : memref<128x128xf32, #tpu.memory_space<vmem>> -> memref<64x128xf32, #tpu.memory_space<vmem>>
        %dma_start3A_130 = arith.constant 0 : i32
        %dma_start3A_131 = tpu.memref_slice %arg7[%sub3A_126, %dma_start3A_130] : memref<40x128xi32, #tpu.memory_space<vmem>> -> memref<1x64xi32, #tpu.memory_space<vmem>>
        %dma_start3A_132 = tpu.memref_squeeze %dma_start3A_131 : memref<1x64xi32, #tpu.memory_space<vmem>> -> memref<64xi32, #tpu.memory_space<vmem>>
        %dma_start3A_133 = arith.constant 0 : i32
        %dma_start3A_134 = arith.constant 0 : i32
        %dma_start3A_135 = tpu.memref_slice %arg2[%dma_start3A_133, %dma_start3A_134] : memref<10240x128xf32, #tpu.memory_space<hbm>> -> memref<10240x128xf32, #tpu.memory_space<hbm>>
        tpu.enqueue_indirect_dma source(%dma_start3A_135 : memref<10240x128xf32, #tpu.memory_space<hbm>>) target(%dma_start3A_129 : memref<64x128xf32, #tpu.memory_space<vmem>>) offsets(%dma_start3A_132 : memref<64xi32, #tpu.memory_space<vmem>>) semaphore(%arg12 : memref<!tpu.dma_semaphore, #tpu.memory_space<semaphore_mem>>)
        %dma_start3A_136 = arith.constant 64 : i32
        %dma_start3A_137 = arith.constant 0 : i32
        %dma_start3A_138 = tpu.memref_slice %arg9[%dma_start3A_136, %dma_start3A_137] : memref<128x128xf32, #tpu.memory_space<vmem>> -> memref<64x128xf32, #tpu.memory_space<vmem>>
        %dma_start3A_139 = arith.constant 64 : i32
        %dma_start3A_140 = tpu.memref_slice %arg7[%sub3A_126, %dma_start3A_139] : memref<40x128xi32, #tpu.memory_space<vmem>> -> memref<1x64xi32, #tpu.memory_space<vmem>>
        %dma_start3A_141 = tpu.memref_squeeze %dma_start3A_140 : memref<1x64xi32, #tpu.memory_space<vmem>> -> memref<64xi32, #tpu.memory_space<vmem>>
        %dma_start3A_142 = arith.constant 0 : i32
        %dma_start3A_143 = arith.constant 0 : i32
        %dma_start3A_144 = tpu.memref_slice %arg2[%dma_start3A_142, %dma_start3A_143] : memref<10240x128xf32, #tpu.memory_space<hbm>> -> memref<10240x128xf32, #tpu.memory_space<hbm>>
        tpu.enqueue_indirect_dma source(%dma_start3A_144 : memref<10240x128xf32, #tpu.memory_space<hbm>>) target(%dma_start3A_138 : memref<64x128xf32, #tpu.memory_space<vmem>>) offsets(%dma_start3A_141 : memref<64xi32, #tpu.memory_space<vmem>>) semaphore(%arg12 : memref<!tpu.dma_semaphore, #tpu.memory_space<semaphore_mem>>)
      } else {
      }
    }
    %scan3A_50 = arith.constant 20 : i32
    %dma_wait3A = arith.constant 39 : i32
    %dma_wait3A_51 = arith.constant 0 : i32
    %dma_wait3A_52 = tpu.memref_slice %arg8[%dma_wait3A, %dma_wait3A_51] : memref<40x128xi32, #tpu.memory_space<vmem>> -> memref<1x128xi32, #tpu.memory_space<vmem>>
    %dma_wait3A_53 = tpu.memref_squeeze %dma_wait3A_52 : memref<1x128xi32, #tpu.memory_space<vmem>> -> memref<128xi32, #tpu.memory_space<vmem>>
    %dma_wait3A_54 = arith.constant 0 : i32
    %dma_wait3A_55 = arith.constant 0 : i32
    %dma_wait3A_56 = tpu.memref_slice %arg11[%dma_wait3A_54, %dma_wait3A_55] : memref<10240x128xf32, #tpu.memory_space<vmem_shared>> -> memref<10240x128xf32, #tpu.memory_space<vmem_shared>>
    tpu.wait_indirect_dma semaphore(%arg14 : memref<!tpu.dma_semaphore, #tpu.memory_space<semaphore_mem>>) src(%arg10 : memref<128x128xf32, #tpu.memory_space<vmem>>) dst(%dma_wait3A_56 : memref<10240x128xf32, #tpu.memory_space<vmem_shared>>)
    %barrier3A_57 = arith.constant 0 : index
    tpu.barrier barrier_id(%barrier3A_57)
    %scan3A_58 = arith.constant 0 : i32
    %scan3A_59 = arith.constant 0 : i32
    %scan3A_60 = arith.constant 5 : i32
    %scan3A_61 = arith.addi %scan3A_59, %scan3A_60 : i32
    %scan3A_62 = arith.constant 1 : i32
    scf.for %scan3A_64 = %scan3A_59 to %scan3A_61 step %scan3A_62  : i32 {
      %mul3A_65 = arith.constant 640 : i32
      %mul3A_66 = arith.muli %arg1, %mul3A_65 : i32
      %mul3A_67 = arith.constant 128 : i32
      %mul3A_68 = arith.muli %scan3A_64, %mul3A_67 : i32
      %add3A_69 = arith.addi %mul3A_66, %mul3A_68 : i32
      "tpu.region"() ({
        %run_scoped3A = tpu.sem_alloc : memref<!tpu.dma_semaphore, #tpu.memory_space<semaphore_mem>>
        %dma_start3A_70 = arith.constant 0 : i32
        %dma_start3A_71 = tpu.memref_slice %arg6[%arg0, %add3A_69, %dma_start3A_70] : memref<2x10240x128xf32, #tpu.memory_space<hbm>> -> memref<1x128x128xf32, #tpu.memory_space<hbm>>
        %dma_start3A_72 = tpu.memref_squeeze %dma_start3A_71 : memref<1x128x128xf32, #tpu.memory_space<hbm>> -> memref<128x128xf32, #tpu.memory_space<hbm>>
        %dma_start3A_73 = arith.constant 0 : i32
        %dma_start3A_74 = tpu.memref_slice %arg11[%add3A_69, %dma_start3A_73] : memref<10240x128xf32, #tpu.memory_space<vmem_shared>> -> memref<128x128xf32, #tpu.memory_space<vmem_shared>>
        tpu.enqueue_dma source(%dma_start3A_74 : memref<128x128xf32, #tpu.memory_space<vmem_shared>>) target(%dma_start3A_72 : memref<128x128xf32, #tpu.memory_space<hbm>>) target_semaphore(%run_scoped3A : memref<!tpu.dma_semaphore, #tpu.memory_space<semaphore_mem>>)
        %dma_wait3A_75 = arith.constant 0 : i32
        %dma_wait3A_76 = tpu.memref_slice %arg6[%arg0, %add3A_69, %dma_wait3A_75] : memref<2x10240x128xf32, #tpu.memory_space<hbm>> -> memref<1x128x128xf32, #tpu.memory_space<hbm>>
        %dma_wait3A_77 = tpu.memref_squeeze %dma_wait3A_76 : memref<1x128x128xf32, #tpu.memory_space<hbm>> -> memref<128x128xf32, #tpu.memory_space<hbm>>
        %dma_wait3A_78 = arith.constant 0 : i32
        %dma_wait3A_79 = tpu.memref_slice %arg11[%add3A_69, %dma_wait3A_78] : memref<10240x128xf32, #tpu.memory_space<vmem_shared>> -> memref<128x128xf32, #tpu.memory_space<vmem_shared>>
        tpu.wait_dma2 semaphore(%run_scoped3A : memref<!tpu.dma_semaphore, #tpu.memory_space<semaphore_mem>>) src(%dma_wait3A_79 : memref<128x128xf32, #tpu.memory_space<vmem_shared>>) dst(%dma_wait3A_77 : memref<128x128xf32, #tpu.memory_space<hbm>>)
        tpu.yield
      }) : () -> ()
    }
    %scan3A_63 = arith.constant 5 : i32
    return
  }
}

#map = affine_map<(d0, d1) -> (0, 0)>
#map1 = affine_map<(d0, d1) -> (0, 0, 0)>
module attributes {stable_mosaic.version = 14 : i64} {
  func.func @body(%arg0: i32, %arg1: i32, %arg2: memref<10240x128xf32, #tpu.memory_space<hbm>>, %arg3: memref<32x40x128xi32, #tpu.memory_space<hbm>>, %arg4: memref<32x40x128xi32, #tpu.memory_space<hbm>>, %arg5: memref<10240x128xf32, #tpu.memory_space<hbm>>, %arg6: memref<2x10240x128xf32, #tpu.memory_space<hbm>>, %arg7: memref<40x128xi32, #tpu.memory_space<vmem>>, %arg8: memref<40x128xi32, #tpu.memory_space<vmem>>, %arg9: memref<128x128xf32, #tpu.memory_space<vmem>>, %arg10: memref<128x128xf32, #tpu.memory_space<vmem>>, %arg11: memref<10240x128xf32, #tpu.memory_space<vmem_shared>>, %arg12: memref<!tpu.dma_semaphore, #tpu.memory_space<semaphore_mem>>, %arg13: memref<!tpu.dma_semaphore, #tpu.memory_space<semaphore_mem>>, %arg14: memref<!tpu.dma_semaphore, #tpu.memory_space<semaphore_mem>>) attributes {dimension_semantics = [#tpu.dimension_semantics<core_parallel>, #tpu.dimension_semantics<subcore_parallel>], iteration_bounds = array<i64: 2, 16>, scalar_prefetch = 0 : i64, scratch_operands = 8 : i64, tpu.core_type = #tpu.core_type<sc_vector_subcore>, window_params = [{transform_indices = #map}, {transform_indices = #map1}, {transform_indices = #map1}, {transform_indices = #map}, {transform_indices = #map1}]} {
    %mul3A = arith.constant 2 : i32
    %mul3A_0 = arith.muli %arg1, %mul3A : i32
    %add3A = arith.addi %mul3A_0, %arg0 : i32
    %scan3A = arith.constant 0 : i32
    %scan3A_1 = arith.constant 0 : i32
    %scan3A_2 = arith.constant 5 : i32
    %scan3A_3 = arith.addi %scan3A_1, %scan3A_2 : i32
    %scan3A_4 = arith.constant 1 : i32
    scf.for %scan3A_64 = %scan3A_1 to %scan3A_3 step %scan3A_4  : i32 {
      %mul3A_65 = arith.constant 640 : i32
      %mul3A_66 = arith.muli %arg1, %mul3A_65 : i32
      %mul3A_67 = arith.constant 128 : i32
      %mul3A_68 = arith.muli %scan3A_64, %mul3A_67 : i32
      %add3A_69 = arith.addi %mul3A_66, %mul3A_68 : i32
      "tpu.region"() ({
        %run_scoped3A = tpu.sem_alloc : memref<!tpu.dma_semaphore, #tpu.memory_space<semaphore_mem>>
        %dma_start3A_70 = arith.constant 0 : i32
        %dma_start3A_71 = tpu.memref_slice %arg11[%add3A_69, %dma_start3A_70] : memref<10240x128xf32, #tpu.memory_space<vmem_shared>> -> memref<128x128xf32, #tpu.memory_space<vmem_shared>>
        %dma_start3A_72 = arith.constant 0 : i32
        %dma_start3A_73 = tpu.memref_slice %arg5[%add3A_69, %dma_start3A_72] : memref<10240x128xf32, #tpu.memory_space<hbm>> -> memref<128x128xf32, #tpu.memory_space<hbm>>
        tpu.enqueue_dma source(%dma_start3A_73 : memref<128x128xf32, #tpu.memory_space<hbm>>) target(%dma_start3A_71 : memref<128x128xf32, #tpu.memory_space<vmem_shared>>) target_semaphore(%run_scoped3A : memref<!tpu.dma_semaphore, #tpu.memory_space<semaphore_mem>>)
        %dma_wait3A_74 = arith.constant 0 : i32
        %dma_wait3A_75 = tpu.memref_slice %arg11[%add3A_69, %dma_wait3A_74] : memref<10240x128xf32, #tpu.memory_space<vmem_shared>> -> memref<128x128xf32, #tpu.memory_space<vmem_shared>>
        %dma_wait3A_76 = arith.constant 0 : i32
        %dma_wait3A_77 = tpu.memref_slice %arg5[%add3A_69, %dma_wait3A_76] : memref<10240x128xf32, #tpu.memory_space<hbm>> -> memref<128x128xf32, #tpu.memory_space<hbm>>
        tpu.wait_dma2 semaphore(%run_scoped3A : memref<!tpu.dma_semaphore, #tpu.memory_space<semaphore_mem>>) src(%dma_wait3A_77 : memref<128x128xf32, #tpu.memory_space<hbm>>) dst(%dma_wait3A_75 : memref<128x128xf32, #tpu.memory_space<vmem_shared>>)
        tpu.yield
      }) : () -> ()
    }
    %scan3A_5 = arith.constant 5 : i32
    "tpu.region"() ({
      %run_scoped3A = tpu.sem_alloc : memref<!tpu.dma_semaphore, #tpu.memory_space<semaphore_mem>>
      %dma_start3A_64 = arith.constant 0 : i32
      %dma_start3A_65 = arith.constant 0 : i32
      %dma_start3A_66 = tpu.memref_slice %arg3[%add3A, %dma_start3A_64, %dma_start3A_65] : memref<32x40x128xi32, #tpu.memory_space<hbm>> -> memref<1x40x128xi32, #tpu.memory_space<hbm>>
      %dma_start3A_67 = tpu.memref_squeeze %dma_start3A_66 : memref<1x40x128xi32, #tpu.memory_space<hbm>> -> memref<40x128xi32, #tpu.memory_space<hbm>>
      %dma_start3A_68 = arith.constant 0 : i32
      %dma_start3A_69 = arith.constant 0 : i32
      %dma_start3A_70 = tpu.memref_slice %arg3[%add3A, %dma_start3A_68, %dma_start3A_69] : memref<32x40x128xi32, #tpu.memory_space<hbm>> -> memref<1x40x128xi32, #tpu.memory_space<hbm>>
      %dma_start3A_71 = tpu.memref_squeeze %dma_start3A_70 : memref<1x40x128xi32, #tpu.memory_space<hbm>> -> memref<40x128xi32, #tpu.memory_space<hbm>>
      tpu.enqueue_dma source(%dma_start3A_71 : memref<40x128xi32, #tpu.memory_space<hbm>>) target(%arg7 : memref<40x128xi32, #tpu.memory_space<vmem>>) target_semaphore(%run_scoped3A : memref<!tpu.dma_semaphore, #tpu.memory_space<semaphore_mem>>)
      %dma_wait3A_72 = arith.constant 0 : i32
      %dma_wait3A_73 = arith.constant 0 : i32
      %dma_wait3A_74 = tpu.memref_slice %arg3[%add3A, %dma_wait3A_72, %dma_wait3A_73] : memref<32x40x128xi32, #tpu.memory_space<hbm>> -> memref<1x40x128xi32, #tpu.memory_space<hbm>>
      %dma_wait3A_75 = tpu.memref_squeeze %dma_wait3A_74 : memref<1x40x128xi32, #tpu.memory_space<hbm>> -> memref<40x128xi32, #tpu.memory_space<hbm>>
      %dma_wait3A_76 = arith.constant 0 : i32
      %dma_wait3A_77 = arith.constant 0 : i32
      %dma_wait3A_78 = tpu.memref_slice %arg3[%add3A, %dma_wait3A_76, %dma_wait3A_77] : memref<32x40x128xi32, #tpu.memory_space<hbm>> -> memref<1x40x128xi32, #tpu.memory_space<hbm>>
      %dma_wait3A_79 = tpu.memref_squeeze %dma_wait3A_78 : memref<1x40x128xi32, #tpu.memory_space<hbm>> -> memref<40x128xi32, #tpu.memory_space<hbm>>
      tpu.wait_dma2 semaphore(%run_scoped3A : memref<!tpu.dma_semaphore, #tpu.memory_space<semaphore_mem>>) src(%dma_wait3A_79 : memref<40x128xi32, #tpu.memory_space<hbm>>) dst(%arg7 : memref<40x128xi32, #tpu.memory_space<vmem>>)
      tpu.yield
    }) : () -> ()
    "tpu.region"() ({
      %run_scoped3A = tpu.sem_alloc : memref<!tpu.dma_semaphore, #tpu.memory_space<semaphore_mem>>
      %dma_start3A_64 = arith.constant 0 : i32
      %dma_start3A_65 = arith.constant 0 : i32
      %dma_start3A_66 = tpu.memref_slice %arg4[%add3A, %dma_start3A_64, %dma_start3A_65] : memref<32x40x128xi32, #tpu.memory_space<hbm>> -> memref<1x40x128xi32, #tpu.memory_space<hbm>>
      %dma_start3A_67 = tpu.memref_squeeze %dma_start3A_66 : memref<1x40x128xi32, #tpu.memory_space<hbm>> -> memref<40x128xi32, #tpu.memory_space<hbm>>
      %dma_start3A_68 = arith.constant 0 : i32
      %dma_start3A_69 = arith.constant 0 : i32
      %dma_start3A_70 = tpu.memref_slice %arg4[%add3A, %dma_start3A_68, %dma_start3A_69] : memref<32x40x128xi32, #tpu.memory_space<hbm>> -> memref<1x40x128xi32, #tpu.memory_space<hbm>>
      %dma_start3A_71 = tpu.memref_squeeze %dma_start3A_70 : memref<1x40x128xi32, #tpu.memory_space<hbm>> -> memref<40x128xi32, #tpu.memory_space<hbm>>
      tpu.enqueue_dma source(%dma_start3A_71 : memref<40x128xi32, #tpu.memory_space<hbm>>) target(%arg8 : memref<40x128xi32, #tpu.memory_space<vmem>>) target_semaphore(%run_scoped3A : memref<!tpu.dma_semaphore, #tpu.memory_space<semaphore_mem>>)
      %dma_wait3A_72 = arith.constant 0 : i32
      %dma_wait3A_73 = arith.constant 0 : i32
      %dma_wait3A_74 = tpu.memref_slice %arg4[%add3A, %dma_wait3A_72, %dma_wait3A_73] : memref<32x40x128xi32, #tpu.memory_space<hbm>> -> memref<1x40x128xi32, #tpu.memory_space<hbm>>
      %dma_wait3A_75 = tpu.memref_squeeze %dma_wait3A_74 : memref<1x40x128xi32, #tpu.memory_space<hbm>> -> memref<40x128xi32, #tpu.memory_space<hbm>>
      %dma_wait3A_76 = arith.constant 0 : i32
      %dma_wait3A_77 = arith.constant 0 : i32
      %dma_wait3A_78 = tpu.memref_slice %arg4[%add3A, %dma_wait3A_76, %dma_wait3A_77] : memref<32x40x128xi32, #tpu.memory_space<hbm>> -> memref<1x40x128xi32, #tpu.memory_space<hbm>>
      %dma_wait3A_79 = tpu.memref_squeeze %dma_wait3A_78 : memref<1x40x128xi32, #tpu.memory_space<hbm>> -> memref<40x128xi32, #tpu.memory_space<hbm>>
      tpu.wait_dma2 semaphore(%run_scoped3A : memref<!tpu.dma_semaphore, #tpu.memory_space<semaphore_mem>>) src(%dma_wait3A_79 : memref<40x128xi32, #tpu.memory_space<hbm>>) dst(%arg8 : memref<40x128xi32, #tpu.memory_space<vmem>>)
      tpu.yield
    }) : () -> ()
    %barrier3A = arith.constant 0 : index
    tpu.barrier barrier_id(%barrier3A)
    %dma_start3A = arith.constant 0 : i32
    %dma_start3A_6 = arith.constant 0 : i32
    %dma_start3A_7 = arith.constant 0 : i32
    %dma_start3A_8 = tpu.memref_slice %arg9[%dma_start3A_6, %dma_start3A_7] : memref<128x128xf32, #tpu.memory_space<vmem>> -> memref<64x128xf32, #tpu.memory_space<vmem>>
    %dma_start3A_9 = arith.constant 0 : i32
    %dma_start3A_10 = tpu.memref_slice %arg7[%dma_start3A, %dma_start3A_9] : memref<40x128xi32, #tpu.memory_space<vmem>> -> memref<1x64xi32, #tpu.memory_space<vmem>>
    %dma_start3A_11 = tpu.memref_squeeze %dma_start3A_10 : memref<1x64xi32, #tpu.memory_space<vmem>> -> memref<64xi32, #tpu.memory_space<vmem>>
    %dma_start3A_12 = arith.constant 0 : i32
    %dma_start3A_13 = arith.constant 0 : i32
    %dma_start3A_14 = tpu.memref_slice %arg2[%dma_start3A_12, %dma_start3A_13] : memref<10240x128xf32, #tpu.memory_space<hbm>> -> memref<10240x128xf32, #tpu.memory_space<hbm>>
    tpu.enqueue_indirect_dma source(%dma_start3A_14 : memref<10240x128xf32, #tpu.memory_space<hbm>>) target(%dma_start3A_8 : memref<64x128xf32, #tpu.memory_space<vmem>>) offsets(%dma_start3A_11 : memref<64xi32, #tpu.memory_space<vmem>>) semaphore(%arg12 : memref<!tpu.dma_semaphore, #tpu.memory_space<semaphore_mem>>)
    %dma_start3A_15 = arith.constant 0 : i32
    %dma_start3A_16 = arith.constant 64 : i32
    %dma_start3A_17 = arith.constant 0 : i32
    %dma_start3A_18 = tpu.memref_slice %arg9[%dma_start3A_16, %dma_start3A_17] : memref<128x128xf32, #tpu.memory_space<vmem>> -> memref<64x128xf32, #tpu.memory_space<vmem>>
    %dma_start3A_19 = arith.constant 64 : i32
    %dma_start3A_20 = tpu.memref_slice %arg7[%dma_start3A_15, %dma_start3A_19] : memref<40x128xi32, #tpu.memory_space<vmem>> -> memref<1x64xi32, #tpu.memory_space<vmem>>
    %dma_start3A_21 = tpu.memref_squeeze %dma_start3A_20 : memref<1x64xi32, #tpu.memory_space<vmem>> -> memref<64xi32, #tpu.memory_space<vmem>>
    %dma_start3A_22 = arith.constant 0 : i32
    %dma_start3A_23 = arith.constant 0 : i32
    %dma_start3A_24 = tpu.memref_slice %arg2[%dma_start3A_22, %dma_start3A_23] : memref<10240x128xf32, #tpu.memory_space<hbm>> -> memref<10240x128xf32, #tpu.memory_space<hbm>>
    tpu.enqueue_indirect_dma source(%dma_start3A_24 : memref<10240x128xf32, #tpu.memory_space<hbm>>) target(%dma_start3A_18 : memref<64x128xf32, #tpu.memory_space<vmem>>) offsets(%dma_start3A_21 : memref<64xi32, #tpu.memory_space<vmem>>) semaphore(%arg12 : memref<!tpu.dma_semaphore, #tpu.memory_space<semaphore_mem>>)
    %dma_start3A_25 = arith.constant 1 : i32
    %dma_start3A_26 = arith.constant 0 : i32
    %dma_start3A_27 = arith.constant 0 : i32
    %dma_start3A_28 = tpu.memref_slice %arg10[%dma_start3A_26, %dma_start3A_27] : memref<128x128xf32, #tpu.memory_space<vmem>> -> memref<64x128xf32, #tpu.memory_space<vmem>>
    %dma_start3A_29 = arith.constant 0 : i32
    %dma_start3A_30 = tpu.memref_slice %arg7[%dma_start3A_25, %dma_start3A_29] : memref<40x128xi32, #tpu.memory_space<vmem>> -> memref<1x64xi32, #tpu.memory_space<vmem>>
    %dma_start3A_31 = tpu.memref_squeeze %dma_start3A_30 : memref<1x64xi32, #tpu.memory_space<vmem>> -> memref<64xi32, #tpu.memory_space<vmem>>
    %dma_start3A_32 = arith.constant 0 : i32
    %dma_start3A_33 = arith.constant 0 : i32
    %dma_start3A_34 = tpu.memref_slice %arg2[%dma_start3A_32, %dma_start3A_33] : memref<10240x128xf32, #tpu.memory_space<hbm>> -> memref<10240x128xf32, #tpu.memory_space<hbm>>
    tpu.enqueue_indirect_dma source(%dma_start3A_34 : memref<10240x128xf32, #tpu.memory_space<hbm>>) target(%dma_start3A_28 : memref<64x128xf32, #tpu.memory_space<vmem>>) offsets(%dma_start3A_31 : memref<64xi32, #tpu.memory_space<vmem>>) semaphore(%arg13 : memref<!tpu.dma_semaphore, #tpu.memory_space<semaphore_mem>>)
    %dma_start3A_35 = arith.constant 1 : i32
    %dma_start3A_36 = arith.constant 64 : i32
    %dma_start3A_37 = arith.constant 0 : i32
    %dma_start3A_38 = tpu.memref_slice %arg10[%dma_start3A_36, %dma_start3A_37] : memref<128x128xf32, #tpu.memory_space<vmem>> -> memref<64x128xf32, #tpu.memory_space<vmem>>
    %dma_start3A_39 = arith.constant 64 : i32
    %dma_start3A_40 = tpu.memref_slice %arg7[%dma_start3A_35, %dma_start3A_39] : memref<40x128xi32, #tpu.memory_space<vmem>> -> memref<1x64xi32, #tpu.memory_space<vmem>>
    %dma_start3A_41 = tpu.memref_squeeze %dma_start3A_40 : memref<1x64xi32, #tpu.memory_space<vmem>> -> memref<64xi32, #tpu.memory_space<vmem>>
    %dma_start3A_42 = arith.constant 0 : i32
    %dma_start3A_43 = arith.constant 0 : i32
    %dma_start3A_44 = tpu.memref_slice %arg2[%dma_start3A_42, %dma_start3A_43] : memref<10240x128xf32, #tpu.memory_space<hbm>> -> memref<10240x128xf32, #tpu.memory_space<hbm>>
    tpu.enqueue_indirect_dma source(%dma_start3A_44 : memref<10240x128xf32, #tpu.memory_space<hbm>>) target(%dma_start3A_38 : memref<64x128xf32, #tpu.memory_space<vmem>>) offsets(%dma_start3A_41 : memref<64xi32, #tpu.memory_space<vmem>>) semaphore(%arg13 : memref<!tpu.dma_semaphore, #tpu.memory_space<semaphore_mem>>)
    %scan3A_45 = arith.constant 0 : i32
    %scan3A_46 = arith.constant 0 : i32
    %scan3A_47 = arith.constant 20 : i32
    %scan3A_48 = arith.addi %scan3A_46, %scan3A_47 : i32
    %scan3A_49 = arith.constant 1 : i32
    scf.for %scan3A_64 = %scan3A_46 to %scan3A_48 step %scan3A_49  : i32 {
      %mul3A_65 = arith.constant 2 : i32
      %mul3A_66 = arith.muli %scan3A_64, %mul3A_65 : i32
      %add3A_67 = arith.constant 0 : i32
      %add3A_68 = arith.addi %mul3A_66, %add3A_67 : i32
      %dma_wait3A_69 = arith.constant 0 : i32
      %dma_wait3A_70 = tpu.memref_slice %arg7[%add3A_68, %dma_wait3A_69] : memref<40x128xi32, #tpu.memory_space<vmem>> -> memref<1x128xi32, #tpu.memory_space<vmem>>
      %dma_wait3A_71 = tpu.memref_squeeze %dma_wait3A_70 : memref<1x128xi32, #tpu.memory_space<vmem>> -> memref<128xi32, #tpu.memory_space<vmem>>
      %dma_wait3A_72 = arith.constant 0 : i32
      %dma_wait3A_73 = arith.constant 0 : i32
      %dma_wait3A_74 = tpu.memref_slice %arg2[%dma_wait3A_72, %dma_wait3A_73] : memref<10240x128xf32, #tpu.memory_space<hbm>> -> memref<10240x128xf32, #tpu.memory_space<hbm>>
      tpu.wait_indirect_dma semaphore(%arg12 : memref<!tpu.dma_semaphore, #tpu.memory_space<semaphore_mem>>) src(%dma_wait3A_74 : memref<10240x128xf32, #tpu.memory_space<hbm>>) dst(%arg9 : memref<128x128xf32, #tpu.memory_space<vmem>>)
      %ge3A = arith.constant 1 : i32
      %ge3A_75 = arith.cmpi sge, %add3A_68, %ge3A : i32
      %convert_element_type3A = arith.extui %ge3A_75 : i1 to i32
      %cond3A = arith.constant 0 : i32
      %cond3A_76 = arith.cmpi ne, %convert_element_type3A, %cond3A : i32
      scf.if %cond3A_76 {
        %sub3A_123 = arith.constant 1 : i32
        %sub3A_124 = arith.subi %add3A_68, %sub3A_123 : i32
        %dma_wait3A_125 = arith.constant 0 : i32
        %dma_wait3A_126 = tpu.memref_slice %arg8[%sub3A_124, %dma_wait3A_125] : memref<40x128xi32, #tpu.memory_space<vmem>> -> memref<1x128xi32, #tpu.memory_space<vmem>>
        %dma_wait3A_127 = tpu.memref_squeeze %dma_wait3A_126 : memref<1x128xi32, #tpu.memory_space<vmem>> -> memref<128xi32, #tpu.memory_space<vmem>>
        %dma_wait3A_128 = arith.constant 0 : i32
        %dma_wait3A_129 = arith.constant 0 : i32
        %dma_wait3A_130 = tpu.memref_slice %arg11[%dma_wait3A_128, %dma_wait3A_129] : memref<10240x128xf32, #tpu.memory_space<vmem_shared>> -> memref<10240x128xf32, #tpu.memory_space<vmem_shared>>
        tpu.wait_indirect_dma semaphore(%arg14 : memref<!tpu.dma_semaphore, #tpu.memory_space<semaphore_mem>>) src(%arg10 : memref<128x128xf32, #tpu.memory_space<vmem>>) dst(%dma_wait3A_130 : memref<10240x128xf32, #tpu.memory_space<vmem_shared>>)
      } else {
      }
      %dma_start3A_77 = arith.constant 0 : i32
      %dma_start3A_78 = tpu.memref_slice %arg8[%add3A_68, %dma_start3A_77] : memref<40x128xi32, #tpu.memory_space<vmem>> -> memref<1x128xi32, #tpu.memory_space<vmem>>
      %dma_start3A_79 = tpu.memref_squeeze %dma_start3A_78 : memref<1x128xi32, #tpu.memory_space<vmem>> -> memref<128xi32, #tpu.memory_space<vmem>>
      %dma_start3A_80 = arith.constant 0 : i32
      %dma_start3A_81 = arith.constant 0 : i32
      %dma_start3A_82 = tpu.memref_slice %arg11[%dma_start3A_80, %dma_start3A_81] : memref<10240x128xf32, #tpu.memory_space<vmem_shared>> -> memref<10240x128xf32, #tpu.memory_space<vmem_shared>>
      tpu.enqueue_indirect_dma source(%arg9 : memref<128x128xf32, #tpu.memory_space<vmem>>) target(%dma_start3A_82 : memref<10240x128xf32, #tpu.memory_space<vmem_shared>>) offsets(%dma_start3A_79 : memref<128xi32, #tpu.memory_space<vmem>>) semaphore(%arg14 : memref<!tpu.dma_semaphore, #tpu.memory_space<semaphore_mem>>) {add = true}
      %ge3A_83 = arith.constant 1 : i32
      %ge3A_84 = arith.cmpi sge, %add3A_68, %ge3A_83 : i32
      %add3A_85 = arith.constant 2 : i32
      %add3A_86 = arith.addi %add3A_68, %add3A_85 : i32
      %sub3A = arith.constant 1 : i32
      %sub3A_87 = arith.subi %add3A_86, %sub3A : i32
      %lt3A = arith.constant 40 : i32
      %lt3A_88 = arith.cmpi slt, %sub3A_87, %lt3A : i32
      %and3A = arith.andi %ge3A_84, %lt3A_88 : i1
      %convert_element_type3A_89 = arith.extui %and3A : i1 to i32
      %cond3A_90 = arith.constant 0 : i32
      %cond3A_91 = arith.cmpi ne, %convert_element_type3A_89, %cond3A_90 : i32
      scf.if %cond3A_91 {
        %add3A_123 = arith.constant 2 : i32
        %add3A_124 = arith.addi %add3A_68, %add3A_123 : i32
        %sub3A_125 = arith.constant 1 : i32
        %sub3A_126 = arith.subi %add3A_124, %sub3A_125 : i32
        %dma_start3A_127 = arith.constant 0 : i32
        %dma_start3A_128 = arith.constant 0 : i32
        %dma_start3A_129 = tpu.memref_slice %arg10[%dma_start3A_127, %dma_start3A_128] : memref<128x128xf32, #tpu.memory_space<vmem>> -> memref<64x128xf32, #tpu.memory_space<vmem>>
        %dma_start3A_130 = arith.constant 0 : i32
        %dma_start3A_131 = tpu.memref_slice %arg7[%sub3A_126, %dma_start3A_130] : memref<40x128xi32, #tpu.memory_space<vmem>> -> memref<1x64xi32, #tpu.memory_space<vmem>>
        %dma_start3A_132 = tpu.memref_squeeze %dma_start3A_131 : memref<1x64xi32, #tpu.memory_space<vmem>> -> memref<64xi32, #tpu.memory_space<vmem>>
        %dma_start3A_133 = arith.constant 0 : i32
        %dma_start3A_134 = arith.constant 0 : i32
        %dma_start3A_135 = tpu.memref_slice %arg2[%dma_start3A_133, %dma_start3A_134] : memref<10240x128xf32, #tpu.memory_space<hbm>> -> memref<10240x128xf32, #tpu.memory_space<hbm>>
        tpu.enqueue_indirect_dma source(%dma_start3A_135 : memref<10240x128xf32, #tpu.memory_space<hbm>>) target(%dma_start3A_129 : memref<64x128xf32, #tpu.memory_space<vmem>>) offsets(%dma_start3A_132 : memref<64xi32, #tpu.memory_space<vmem>>) semaphore(%arg13 : memref<!tpu.dma_semaphore, #tpu.memory_space<semaphore_mem>>)
        %dma_start3A_136 = arith.constant 64 : i32
        %dma_start3A_137 = arith.constant 0 : i32
        %dma_start3A_138 = tpu.memref_slice %arg10[%dma_start3A_136, %dma_start3A_137] : memref<128x128xf32, #tpu.memory_space<vmem>> -> memref<64x128xf32, #tpu.memory_space<vmem>>
        %dma_start3A_139 = arith.constant 64 : i32
        %dma_start3A_140 = tpu.memref_slice %arg7[%sub3A_126, %dma_start3A_139] : memref<40x128xi32, #tpu.memory_space<vmem>> -> memref<1x64xi32, #tpu.memory_space<vmem>>
        %dma_start3A_141 = tpu.memref_squeeze %dma_start3A_140 : memref<1x64xi32, #tpu.memory_space<vmem>> -> memref<64xi32, #tpu.memory_space<vmem>>
        %dma_start3A_142 = arith.constant 0 : i32
        %dma_start3A_143 = arith.constant 0 : i32
        %dma_start3A_144 = tpu.memref_slice %arg2[%dma_start3A_142, %dma_start3A_143] : memref<10240x128xf32, #tpu.memory_space<hbm>> -> memref<10240x128xf32, #tpu.memory_space<hbm>>
        tpu.enqueue_indirect_dma source(%dma_start3A_144 : memref<10240x128xf32, #tpu.memory_space<hbm>>) target(%dma_start3A_138 : memref<64x128xf32, #tpu.memory_space<vmem>>) offsets(%dma_start3A_141 : memref<64xi32, #tpu.memory_space<vmem>>) semaphore(%arg13 : memref<!tpu.dma_semaphore, #tpu.memory_space<semaphore_mem>>)
      } else {
      }
      %add3A_92 = arith.constant 1 : i32
      %add3A_93 = arith.addi %mul3A_66, %add3A_92 : i32
      %dma_wait3A_94 = arith.constant 0 : i32
      %dma_wait3A_95 = tpu.memref_slice %arg7[%add3A_93, %dma_wait3A_94] : memref<40x128xi32, #tpu.memory_space<vmem>> -> memref<1x128xi32, #tpu.memory_space<vmem>>
      %dma_wait3A_96 = tpu.memref_squeeze %dma_wait3A_95 : memref<1x128xi32, #tpu.memory_space<vmem>> -> memref<128xi32, #tpu.memory_space<vmem>>
      %dma_wait3A_97 = arith.constant 0 : i32
      %dma_wait3A_98 = arith.constant 0 : i32
      %dma_wait3A_99 = tpu.memref_slice %arg2[%dma_wait3A_97, %dma_wait3A_98] : memref<10240x128xf32, #tpu.memory_space<hbm>> -> memref<10240x128xf32, #tpu.memory_space<hbm>>
      tpu.wait_indirect_dma semaphore(%arg13 : memref<!tpu.dma_semaphore, #tpu.memory_space<semaphore_mem>>) src(%dma_wait3A_99 : memref<10240x128xf32, #tpu.memory_space<hbm>>) dst(%arg10 : memref<128x128xf32, #tpu.memory_space<vmem>>)
      %ge3A_100 = arith.constant 1 : i32
      %ge3A_101 = arith.cmpi sge, %add3A_93, %ge3A_100 : i32
      %convert_element_type3A_102 = arith.extui %ge3A_101 : i1 to i32
      %cond3A_103 = arith.constant 0 : i32
      %cond3A_104 = arith.cmpi ne, %convert_element_type3A_102, %cond3A_103 : i32
      scf.if %cond3A_104 {
        %sub3A_123 = arith.constant 1 : i32
        %sub3A_124 = arith.subi %add3A_93, %sub3A_123 : i32
        %dma_wait3A_125 = arith.constant 0 : i32
        %dma_wait3A_126 = tpu.memref_slice %arg8[%sub3A_124, %dma_wait3A_125] : memref<40x128xi32, #tpu.memory_space<vmem>> -> memref<1x128xi32, #tpu.memory_space<vmem>>
        %dma_wait3A_127 = tpu.memref_squeeze %dma_wait3A_126 : memref<1x128xi32, #tpu.memory_space<vmem>> -> memref<128xi32, #tpu.memory_space<vmem>>
        %dma_wait3A_128 = arith.constant 0 : i32
        %dma_wait3A_129 = arith.constant 0 : i32
        %dma_wait3A_130 = tpu.memref_slice %arg11[%dma_wait3A_128, %dma_wait3A_129] : memref<10240x128xf32, #tpu.memory_space<vmem_shared>> -> memref<10240x128xf32, #tpu.memory_space<vmem_shared>>
        tpu.wait_indirect_dma semaphore(%arg14 : memref<!tpu.dma_semaphore, #tpu.memory_space<semaphore_mem>>) src(%arg9 : memref<128x128xf32, #tpu.memory_space<vmem>>) dst(%dma_wait3A_130 : memref<10240x128xf32, #tpu.memory_space<vmem_shared>>)
      } else {
      }
      %dma_start3A_105 = arith.constant 0 : i32
      %dma_start3A_106 = tpu.memref_slice %arg8[%add3A_93, %dma_start3A_105] : memref<40x128xi32, #tpu.memory_space<vmem>> -> memref<1x128xi32, #tpu.memory_space<vmem>>
      %dma_start3A_107 = tpu.memref_squeeze %dma_start3A_106 : memref<1x128xi32, #tpu.memory_space<vmem>> -> memref<128xi32, #tpu.memory_space<vmem>>
      %dma_start3A_108 = arith.constant 0 : i32
      %dma_start3A_109 = arith.constant 0 : i32
      %dma_start3A_110 = tpu.memref_slice %arg11[%dma_start3A_108, %dma_start3A_109] : memref<10240x128xf32, #tpu.memory_space<vmem_shared>> -> memref<10240x128xf32, #tpu.memory_space<vmem_shared>>
      tpu.enqueue_indirect_dma source(%arg10 : memref<128x128xf32, #tpu.memory_space<vmem>>) target(%dma_start3A_110 : memref<10240x128xf32, #tpu.memory_space<vmem_shared>>) offsets(%dma_start3A_107 : memref<128xi32, #tpu.memory_space<vmem>>) semaphore(%arg14 : memref<!tpu.dma_semaphore, #tpu.memory_space<semaphore_mem>>) {add = true}
      %ge3A_111 = arith.constant 1 : i32
      %ge3A_112 = arith.cmpi sge, %add3A_93, %ge3A_111 : i32
      %add3A_113 = arith.constant 2 : i32
      %add3A_114 = arith.addi %add3A_93, %add3A_113 : i32
      %sub3A_115 = arith.constant 1 : i32
      %sub3A_116 = arith.subi %add3A_114, %sub3A_115 : i32
      %lt3A_117 = arith.constant 40 : i32
      %lt3A_118 = arith.cmpi slt, %sub3A_116, %lt3A_117 : i32
      %and3A_119 = arith.andi %ge3A_112, %lt3A_118 : i1
      %convert_element_type3A_120 = arith.extui %and3A_119 : i1 to i32
      %cond3A_121 = arith.constant 0 : i32
      %cond3A_122 = arith.cmpi ne, %convert_element_type3A_120, %cond3A_121 : i32
      scf.if %cond3A_122 {
        %add3A_123 = arith.constant 2 : i32
        %add3A_124 = arith.addi %add3A_93, %add3A_123 : i32
        %sub3A_125 = arith.constant 1 : i32
        %sub3A_126 = arith.subi %add3A_124, %sub3A_125 : i32
        %dma_start3A_127 = arith.constant 0 : i32
        %dma_start3A_128 = arith.constant 0 : i32
        %dma_start3A_129 = tpu.memref_slice %arg9[%dma_start3A_127, %dma_start3A_128] : memref<128x128xf32, #tpu.memory_space<vmem>> -> memref<64x128xf32, #tpu.memory_space<vmem>>
        %dma_start3A_130 = arith.constant 0 : i32
        %dma_start3A_131 = tpu.memref_slice %arg7[%sub3A_126, %dma_start3A_130] : memref<40x128xi32, #tpu.memory_space<vmem>> -> memref<1x64xi32, #tpu.memory_space<vmem>>
        %dma_start3A_132 = tpu.memref_squeeze %dma_start3A_131 : memref<1x64xi32, #tpu.memory_space<vmem>> -> memref<64xi32, #tpu.memory_space<vmem>>
        %dma_start3A_133 = arith.constant 0 : i32
        %dma_start3A_134 = arith.constant 0 : i32
        %dma_start3A_135 = tpu.memref_slice %arg2[%dma_start3A_133, %dma_start3A_134] : memref<10240x128xf32, #tpu.memory_space<hbm>> -> memref<10240x128xf32, #tpu.memory_space<hbm>>
        tpu.enqueue_indirect_dma source(%dma_start3A_135 : memref<10240x128xf32, #tpu.memory_space<hbm>>) target(%dma_start3A_129 : memref<64x128xf32, #tpu.memory_space<vmem>>) offsets(%dma_start3A_132 : memref<64xi32, #tpu.memory_space<vmem>>) semaphore(%arg12 : memref<!tpu.dma_semaphore, #tpu.memory_space<semaphore_mem>>)
        %dma_start3A_136 = arith.constant 64 : i32
        %dma_start3A_137 = arith.constant 0 : i32
        %dma_start3A_138 = tpu.memref_slice %arg9[%dma_start3A_136, %dma_start3A_137] : memref<128x128xf32, #tpu.memory_space<vmem>> -> memref<64x128xf32, #tpu.memory_space<vmem>>
        %dma_start3A_139 = arith.constant 64 : i32
        %dma_start3A_140 = tpu.memref_slice %arg7[%sub3A_126, %dma_start3A_139] : memref<40x128xi32, #tpu.memory_space<vmem>> -> memref<1x64xi32, #tpu.memory_space<vmem>>
        %dma_start3A_141 = tpu.memref_squeeze %dma_start3A_140 : memref<1x64xi32, #tpu.memory_space<vmem>> -> memref<64xi32, #tpu.memory_space<vmem>>
        %dma_start3A_142 = arith.constant 0 : i32
        %dma_start3A_143 = arith.constant 0 : i32
        %dma_start3A_144 = tpu.memref_slice %arg2[%dma_start3A_142, %dma_start3A_143] : memref<10240x128xf32, #tpu.memory_space<hbm>> -> memref<10240x128xf32, #tpu.memory_space<hbm>>
        tpu.enqueue_indirect_dma source(%dma_start3A_144 : memref<10240x128xf32, #tpu.memory_space<hbm>>) target(%dma_start3A_138 : memref<64x128xf32, #tpu.memory_space<vmem>>) offsets(%dma_start3A_141 : memref<64xi32, #tpu.memory_space<vmem>>) semaphore(%arg12 : memref<!tpu.dma_semaphore, #tpu.memory_space<semaphore_mem>>)
      } else {
      }
    }
    %scan3A_50 = arith.constant 20 : i32
    %dma_wait3A = arith.constant 39 : i32
    %dma_wait3A_51 = arith.constant 0 : i32
    %dma_wait3A_52 = tpu.memref_slice %arg8[%dma_wait3A, %dma_wait3A_51] : memref<40x128xi32, #tpu.memory_space<vmem>> -> memref<1x128xi32, #tpu.memory_space<vmem>>
    %dma_wait3A_53 = tpu.memref_squeeze %dma_wait3A_52 : memref<1x128xi32, #tpu.memory_space<vmem>> -> memref<128xi32, #tpu.memory_space<vmem>>
    %dma_wait3A_54 = arith.constant 0 : i32
    %dma_wait3A_55 = arith.constant 0 : i32
    %dma_wait3A_56 = tpu.memref_slice %arg11[%dma_wait3A_54, %dma_wait3A_55] : memref<10240x128xf32, #tpu.memory_space<vmem_shared>> -> memref<10240x128xf32, #tpu.memory_space<vmem_shared>>
    tpu.wait_indirect_dma semaphore(%arg14 : memref<!tpu.dma_semaphore, #tpu.memory_space<semaphore_mem>>) src(%arg10 : memref<128x128xf32, #tpu.memory_space<vmem>>) dst(%dma_wait3A_56 : memref<10240x128xf32, #tpu.memory_space<vmem_shared>>)
    %barrier3A_57 = arith.constant 0 : index
    tpu.barrier barrier_id(%barrier3A_57)
    %scan3A_58 = arith.constant 0 : i32
    %scan3A_59 = arith.constant 0 : i32
    %scan3A_60 = arith.constant 5 : i32
    %scan3A_61 = arith.addi %scan3A_59, %scan3A_60 : i32
    %scan3A_62 = arith.constant 1 : i32
    scf.for %scan3A_64 = %scan3A_59 to %scan3A_61 step %scan3A_62  : i32 {
      %mul3A_65 = arith.constant 640 : i32
      %mul3A_66 = arith.muli %arg1, %mul3A_65 : i32
      %mul3A_67 = arith.constant 128 : i32
      %mul3A_68 = arith.muli %scan3A_64, %mul3A_67 : i32
      %add3A_69 = arith.addi %mul3A_66, %mul3A_68 : i32
      "tpu.region"() ({
        %run_scoped3A = tpu.sem_alloc : memref<!tpu.dma_semaphore, #tpu.memory_space<semaphore_mem>>
        %dma_start3A_70 = arith.constant 0 : i32
        %dma_start3A_71 = tpu.memref_slice %arg6[%arg0, %add3A_69, %dma_start3A_70] : memref<2x10240x128xf32, #tpu.memory_space<hbm>> -> memref<1x128x128xf32, #tpu.memory_space<hbm>>
        %dma_start3A_72 = tpu.memref_squeeze %dma_start3A_71 : memref<1x128x128xf32, #tpu.memory_space<hbm>> -> memref<128x128xf32, #tpu.memory_space<hbm>>
        %dma_start3A_73 = arith.constant 0 : i32
        %dma_start3A_74 = tpu.memref_slice %arg11[%add3A_69, %dma_start3A_73] : memref<10240x128xf32, #tpu.memory_space<vmem_shared>> -> memref<128x128xf32, #tpu.memory_space<vmem_shared>>
        tpu.enqueue_dma source(%dma_start3A_74 : memref<128x128xf32, #tpu.memory_space<vmem_shared>>) target(%dma_start3A_72 : memref<128x128xf32, #tpu.memory_space<hbm>>) target_semaphore(%run_scoped3A : memref<!tpu.dma_semaphore, #tpu.memory_space<semaphore_mem>>)
        %dma_wait3A_75 = arith.constant 0 : i32
        %dma_wait3A_76 = tpu.memref_slice %arg6[%arg0, %add3A_69, %dma_wait3A_75] : memref<2x10240x128xf32, #tpu.memory_space<hbm>> -> memref<1x128x128xf32, #tpu.memory_space<hbm>>
        %dma_wait3A_77 = tpu.memref_squeeze %dma_wait3A_76 : memref<1x128x128xf32, #tpu.memory_space<hbm>> -> memref<128x128xf32, #tpu.memory_space<hbm>>
        %dma_wait3A_78 = arith.constant 0 : i32
        %dma_wait3A_79 = tpu.memref_slice %arg11[%add3A_69, %dma_wait3A_78] : memref<10240x128xf32, #tpu.memory_space<vmem_shared>> -> memref<128x128xf32, #tpu.memory_space<vmem_shared>>
        tpu.wait_dma2 semaphore(%run_scoped3A : memref<!tpu.dma_semaphore, #tpu.memory_space<semaphore_mem>>) src(%dma_wait3A_79 : memref<128x128xf32, #tpu.memory_space<vmem_shared>>) dst(%dma_wait3A_77 : memref<128x128xf32, #tpu.memory_space<hbm>>)
        tpu.yield
      }) : () -> ()
    }
    %scan3A_63 = arith.constant 5 : i32
    return
  }
}

module attributes {stable_mosaic.version = 14 : i64} {
  func.func @_scale_body(%arg0: i32, %arg1: memref<2x1024x128xf32, #tpu.memory_space<vmem>>, %arg2: memref<1024x128xf32, #tpu.memory_space<vmem>>, %arg3: memref<1024x128xf32, #tpu.memory_space<vmem>>, %arg4: memref<1024x16xf32, #tpu.memory_space<vmem>>) attributes {dimension_semantics = [#tpu.dimension_semantics<arbitrary>], iteration_bounds = array<i64: 10>, scalar_prefetch = 0 : i64, scratch_operands = 0 : i64, tpu.core_type = #tpu.core_type<tc>, window_params = [{transform_indices = @transform_0, window_bounds = array<i64: 2, 1024, 128>}, {transform_indices = @transform_1, window_bounds = array<i64: 1024, 128>}, {transform_indices = @transform_2, window_bounds = array<i64: 1024, 128>}, {transform_indices = @transform_3, window_bounds = array<i64: 1024, 16>}]} {
    %get3A = arith.constant 0 : index
    %get3A_0 = arith.constant 0 : index
    %get3A_1 = arith.constant 0 : index
    %get3A_2 = vector.load %arg1[%get3A, %get3A_0, %get3A_1] : memref<2x1024x128xf32, #tpu.memory_space<vmem>>, vector<1x1024x1xf32>
    %get3A_3 = vector.shape_cast %get3A_2 : vector<1x1024x1xf32> to vector<1024x1xf32>
    %get3A_4 = arith.constant 1 : index
    %get3A_5 = arith.constant 0 : index
    %get3A_6 = arith.constant 0 : index
    %get3A_7 = vector.load %arg1[%get3A_4, %get3A_5, %get3A_6] : memref<2x1024x128xf32, #tpu.memory_space<vmem>>, vector<1x1024x1xf32>
    %get3A_8 = vector.shape_cast %get3A_7 : vector<1x1024x1xf32> to vector<1024x1xf32>
    %add3A = arith.addf %get3A_3, %get3A_8 : vector<1024x1xf32>
    %add3A_9 = arith.constant 1.000000e+00 : f32
    %add3A_10 = vector.broadcast %add3A_9 : f32 to vector<1024x1xf32>
    %add3A_11 = arith.addf %add3A, %add3A_10 : vector<1024x1xf32>
    %rsqrt3A = math.rsqrt %add3A_11 : vector<1024x1xf32>
    %get3A_12 = arith.constant 0 : index
    %get3A_13 = arith.constant 0 : index
    %get3A_14 = vector.load %arg2[%get3A_12, %get3A_13] : memref<1024x128xf32, #tpu.memory_space<vmem>>, vector<1024x128xf32>
    %mul3A = vector.broadcast %rsqrt3A : vector<1024x1xf32> to vector<1024x128xf32>
    %mul3A_15 = arith.mulf %get3A_14, %mul3A : vector<1024x128xf32>
    %swap3A = arith.constant 0 : index
    %swap3A_16 = arith.constant 0 : index
    %swap3A_17 = vector.load %arg3[%swap3A, %swap3A_16] : memref<1024x128xf32, #tpu.memory_space<vmem>>, vector<1024x128xf32>
    tpu.vector_store %arg3[%swap3A, %swap3A_16], %mul3A_15 {strides = array<i32>} : memref<1024x128xf32, #tpu.memory_space<vmem>>, vector<1024x128xf32>,
    %broadcast_in_dim3A = vector.shape_cast %rsqrt3A : vector<1024x1xf32> to vector<1024x1xf32>
    %broadcast_in_dim3A_18 = vector.broadcast %broadcast_in_dim3A : vector<1024x1xf32> to vector<1024x16xf32>
    %swap3A_19 = arith.constant 0 : index
    %swap3A_20 = arith.constant 0 : index
    %swap3A_21 = vector.load %arg4[%swap3A_19, %swap3A_20] : memref<1024x16xf32, #tpu.memory_space<vmem>>, vector<1024x16xf32>
    tpu.vector_store %arg4[%swap3A_19, %swap3A_20], %broadcast_in_dim3A_18 {strides = array<i32>} : memref<1024x16xf32, #tpu.memory_space<vmem>>, vector<1024x16xf32>,
    return
  }
  func.func @transform_0(%arg0: i32) -> (i32, i32, i32) {
    %c0_i32 = arith.constant 0 : i32
    %c0_i32_0 = arith.constant 0 : i32
    %c0_i32_1 = arith.constant 0 : i32
    return %c0_i32, %arg0, %c0_i32_0 : i32, i32, i32
  }
  func.func @transform_1(%arg0: i32) -> (i32, i32) {
    %c0_i32 = arith.constant 0 : i32
    %c0_i32_0 = arith.constant 0 : i32
    return %arg0, %c0_i32 : i32, i32
  }
  func.func @transform_2(%arg0: i32) -> (i32, i32) {
    %c0_i32 = arith.constant 0 : i32
    %c0_i32_0 = arith.constant 0 : i32
    return %arg0, %c0_i32 : i32, i32
  }
  func.func @transform_3(%arg0: i32) -> (i32, i32) {
    %c0_i32 = arith.constant 0 : i32
    %c0_i32_0 = arith.constant 0 : i32
    return %arg0, %c0_i32 : i32, i32
  }
}

module attributes {stable_mosaic.version = 14 : i64} {
  func.func @_dense_body(%arg0: i32, %arg1: memref<1024x16xf32, #tpu.memory_space<vmem>>, %arg2: memref<2x1024x128xf32, #tpu.memory_space<vmem>>, %arg3: memref<1024x128xf32, #tpu.memory_space<vmem>>, %arg4: memref<128x4096xbf16, #tpu.memory_space<vmem>>, %arg5: memref<1x4096xf32, #tpu.memory_space<vmem>>, %arg6: memref<4096x128xbf16, #tpu.memory_space<vmem>>, %arg7: memref<1024x128xf32, #tpu.memory_space<vmem>>) attributes {dimension_semantics = [#tpu.dimension_semantics<arbitrary>], iteration_bounds = array<i64: 10>, scalar_prefetch = 0 : i64, scratch_operands = 0 : i64, tpu.core_type = #tpu.core_type<tc>, window_params = [{transform_indices = @transform_0, window_bounds = array<i64: 1024, 16>}, {transform_indices = @transform_1, window_bounds = array<i64: 2, 1024, 128>}, {transform_indices = @transform_2, window_bounds = array<i64: 1024, 128>}, {pipeline_mode = #tpu.pipeline_mode<synchronous>, transform_indices = @transform_3, window_bounds = array<i64: 128, 4096>}, {pipeline_mode = #tpu.pipeline_mode<synchronous>, transform_indices = @transform_4, window_bounds = array<i64: 1, 4096>}, {pipeline_mode = #tpu.pipeline_mode<synchronous>, transform_indices = @transform_5, window_bounds = array<i64: 4096, 128>}, {transform_indices = @transform_6, window_bounds = array<i64: 1024, 128>}]} {
    %get3A = arith.constant 0 : index
    %get3A_0 = arith.constant 0 : index
    %get3A_1 = vector.load %arg1[%get3A, %get3A_0] : memref<1024x16xf32, #tpu.memory_space<vmem>>, vector<1024x1xf32>
    %get3A_2 = arith.constant 0 : index
    %get3A_3 = arith.constant 0 : index
    %get3A_4 = arith.constant 0 : index
    %get3A_5 = vector.load %arg2[%get3A_2, %get3A_3, %get3A_4] : memref<2x1024x128xf32, #tpu.memory_space<vmem>>, vector<1x1024x128xf32>
    %get3A_6 = vector.shape_cast %get3A_5 : vector<1x1024x128xf32> to vector<1024x128xf32>
    %get3A_7 = arith.constant 1 : index
    %get3A_8 = arith.constant 0 : index
    %get3A_9 = arith.constant 0 : index
    %get3A_10 = vector.load %arg2[%get3A_7, %get3A_8, %get3A_9] : memref<2x1024x128xf32, #tpu.memory_space<vmem>>, vector<1x1024x128xf32>
    %get3A_11 = vector.shape_cast %get3A_10 : vector<1x1024x128xf32> to vector<1024x128xf32>
    %add3A = arith.addf %get3A_6, %get3A_11 : vector<1024x128xf32>
    %get3A_12 = arith.constant 0 : index
    %get3A_13 = arith.constant 0 : index
    %get3A_14 = vector.load %arg3[%get3A_12, %get3A_13] : memref<1024x128xf32, #tpu.memory_space<vmem>>, vector<1024x128xf32>
    %add3A_15 = arith.addf %add3A, %get3A_14 : vector<1024x128xf32>
    %mul3A = vector.broadcast %get3A_1 : vector<1024x1xf32> to vector<1024x128xf32>
    %mul3A_16 = arith.mulf %add3A_15, %mul3A : vector<1024x128xf32>
    %convert_element_type3A = arith.truncf %mul3A_16 : vector<1024x128xf32> to vector<1024x128xbf16>
    %get3A_17 = arith.constant 0 : index
    %get3A_18 = arith.constant 0 : index
    %get3A_19 = vector.load %arg4[%get3A_17, %get3A_18] : memref<128x4096xbf16, #tpu.memory_space<vmem>>, vector<128x4096xbf16>
    %dot_general3A = arith.constant dense<0.000000e+00> : vector<1024x4096xf32>
    %dot_general3A_20 = tpu.matmul %convert_element_type3A, %get3A_19, %dot_general3A {dimension_numbers = #tpu.dot_dimension_numbers<[1], [0], [0], [1], [0, 0, 1, 1], [], []>, transpose_lhs_hint = false} : vector<1024x128xbf16>, vector<128x4096xbf16>, vector<1024x4096xf32> -> vector<1024x4096xf32>
    %get3A_21 = arith.constant 0 : index
    %get3A_22 = arith.constant 0 : index
    %get3A_23 = vector.load %arg5[%get3A_21, %get3A_22] : memref<1x4096xf32, #tpu.memory_space<vmem>>, vector<1x4096xf32>
    %add3A_24 = vector.broadcast %get3A_23 : vector<1x4096xf32> to vector<1024x4096xf32>
    %add3A_25 = arith.addf %dot_general3A_20, %add3A_24 : vector<1024x4096xf32>
    %max3A = arith.constant 0.000000e+00 : f32
    %max3A_26 = vector.broadcast %max3A : f32 to vector<1024x4096xf32>
    %max3A_27 = arith.maximumf %add3A_25, %max3A_26 : vector<1024x4096xf32>
    %convert_element_type3A_28 = arith.truncf %max3A_27 : vector<1024x4096xf32> to vector<1024x4096xbf16>
    %get3A_29 = arith.constant 0 : index
    %get3A_30 = arith.constant 0 : index
    %get3A_31 = vector.load %arg6[%get3A_29, %get3A_30] : memref<4096x128xbf16, #tpu.memory_space<vmem>>, vector<4096x128xbf16>
    %dot_general3A_32 = arith.constant dense<0.000000e+00> : vector<1024x128xf32>
    %dot_general3A_33 = tpu.matmul %convert_element_type3A_28, %get3A_31, %dot_general3A_32 {dimension_numbers = #tpu.dot_dimension_numbers<[1], [0], [0], [1], [0, 0, 1, 1], [], []>, transpose_lhs_hint = false} : vector<1024x4096xbf16>, vector<4096x128xbf16>, vector<1024x128xf32> -> vector<1024x128xf32>
    %mul3A_34 = vector.broadcast %get3A_1 : vector<1024x1xf32> to vector<1024x128xf32>
    %mul3A_35 = arith.mulf %dot_general3A_33, %mul3A_34 : vector<1024x128xf32>
    %swap3A = arith.constant 0 : index
    %swap3A_36 = arith.constant 0 : index
    %swap3A_37 = vector.load %arg7[%swap3A, %swap3A_36] : memref<1024x128xf32, #tpu.memory_space<vmem>>, vector<1024x128xf32>
    tpu.vector_store %arg7[%swap3A, %swap3A_36], %mul3A_35 {strides = array<i32>} : memref<1024x128xf32, #tpu.memory_space<vmem>>, vector<1024x128xf32>,
    return
  }
  func.func @transform_0(%arg0: i32) -> (i32, i32) {
    %c0_i32 = arith.constant 0 : i32
    %c0_i32_0 = arith.constant 0 : i32
    return %arg0, %c0_i32 : i32, i32
  }
  func.func @transform_1(%arg0: i32) -> (i32, i32, i32) {
    %c0_i32 = arith.constant 0 : i32
    %c0_i32_0 = arith.constant 0 : i32
    %c0_i32_1 = arith.constant 0 : i32
    return %c0_i32, %arg0, %c0_i32_0 : i32, i32, i32
  }
  func.func @transform_2(%arg0: i32) -> (i32, i32) {
    %c0_i32 = arith.constant 0 : i32
    %c0_i32_0 = arith.constant 0 : i32
    return %arg0, %c0_i32 : i32, i32
  }
  func.func @transform_3(%arg0: i32) -> (i32, i32) {
    %c0_i32 = arith.constant 0 : i32
    %c0_i32_0 = arith.constant 0 : i32
    %c0_i32_1 = arith.constant 0 : i32
    return %c0_i32, %c0_i32_0 : i32, i32
  }
  func.func @transform_4(%arg0: i32) -> (i32, i32) {
    %c0_i32 = arith.constant 0 : i32
    %c0_i32_0 = arith.constant 0 : i32
    %c0_i32_1 = arith.constant 0 : i32
    return %c0_i32, %c0_i32_0 : i32, i32
  }
  func.func @transform_5(%arg0: i32) -> (i32, i32) {
    %c0_i32 = arith.constant 0 : i32
    %c0_i32_0 = arith.constant 0 : i32
    %c0_i32_1 = arith.constant 0 : i32
    return %c0_i32, %c0_i32_0 : i32, i32
  }
  func.func @transform_6(%arg0: i32) -> (i32, i32) {
    %c0_i32 = arith.constant 0 : i32
    %c0_i32_0 = arith.constant 0 : i32
    return %arg0, %c0_i32 : i32, i32
  }
}

module attributes {stable_mosaic.version = 14 : i64} {
  func.func @_final_body(%arg0: i32, %arg1: memref<1024x16xf32, #tpu.memory_space<vmem>>, %arg2: memref<2x1024x128xf32, #tpu.memory_space<vmem>>, %arg3: memref<1024x128xf32, #tpu.memory_space<vmem>>, %arg4: memref<1x128xf32, #tpu.memory_space<vmem>>, %arg5: memref<1024x128xf32, #tpu.memory_space<vmem>>) attributes {dimension_semantics = [#tpu.dimension_semantics<arbitrary>], iteration_bounds = array<i64: 10>, scalar_prefetch = 0 : i64, scratch_operands = 0 : i64, tpu.core_type = #tpu.core_type<tc>, window_params = [{transform_indices = @transform_0, window_bounds = array<i64: 1024, 16>}, {transform_indices = @transform_1, window_bounds = array<i64: 2, 1024, 128>}, {transform_indices = @transform_2, window_bounds = array<i64: 1024, 128>}, {pipeline_mode = #tpu.pipeline_mode<synchronous>, transform_indices = @transform_3, window_bounds = array<i64: 1, 128>}, {transform_indices = @transform_4, window_bounds = array<i64: 1024, 128>}]} {
    %get3A = arith.constant 0 : index
    %get3A_0 = arith.constant 0 : index
    %get3A_1 = vector.load %arg1[%get3A, %get3A_0] : memref<1024x16xf32, #tpu.memory_space<vmem>>, vector<1024x1xf32>
    %get3A_2 = arith.constant 0 : index
    %get3A_3 = arith.constant 0 : index
    %get3A_4 = arith.constant 0 : index
    %get3A_5 = vector.load %arg2[%get3A_2, %get3A_3, %get3A_4] : memref<2x1024x128xf32, #tpu.memory_space<vmem>>, vector<1x1024x128xf32>
    %get3A_6 = vector.shape_cast %get3A_5 : vector<1x1024x128xf32> to vector<1024x128xf32>
    %get3A_7 = arith.constant 1 : index
    %get3A_8 = arith.constant 0 : index
    %get3A_9 = arith.constant 0 : index
    %get3A_10 = vector.load %arg2[%get3A_7, %get3A_8, %get3A_9] : memref<2x1024x128xf32, #tpu.memory_space<vmem>>, vector<1x1024x128xf32>
    %get3A_11 = vector.shape_cast %get3A_10 : vector<1x1024x128xf32> to vector<1024x128xf32>
    %add3A = arith.addf %get3A_6, %get3A_11 : vector<1024x128xf32>
    %get3A_12 = arith.constant 0 : index
    %get3A_13 = arith.constant 0 : index
    %get3A_14 = vector.load %arg3[%get3A_12, %get3A_13] : memref<1024x128xf32, #tpu.memory_space<vmem>>, vector<1024x128xf32>
    %add3A_15 = arith.addf %add3A, %get3A_14 : vector<1024x128xf32>
    %mul3A = vector.broadcast %get3A_1 : vector<1024x1xf32> to vector<1024x128xf32>
    %mul3A_16 = arith.mulf %add3A_15, %mul3A : vector<1024x128xf32>
    %get3A_17 = arith.constant 0 : index
    %get3A_18 = arith.constant 0 : index
    %get3A_19 = vector.load %arg4[%get3A_17, %get3A_18] : memref<1x128xf32, #tpu.memory_space<vmem>>, vector<1x128xf32>
    %add3A_20 = vector.broadcast %get3A_19 : vector<1x128xf32> to vector<1024x128xf32>
    %add3A_21 = arith.addf %mul3A_16, %add3A_20 : vector<1024x128xf32>
    %reduce_max3A = arith.constant dense<0xFF800000> : vector<1024xf32>
    %reduce_max3A_22 = vector.multi_reduction <maximumf>, %add3A_21, %reduce_max3A [1] : vector<1024x128xf32> to vector<1024xf32>
    %broadcast_in_dim3A = vector.shape_cast %reduce_max3A_22 : vector<1024xf32> to vector<1024x1xf32>
    %sub3A = vector.broadcast %broadcast_in_dim3A : vector<1024x1xf32> to vector<1024x128xf32>
    %sub3A_23 = arith.subf %add3A_21, %sub3A : vector<1024x128xf32>
    %exp3A = math.exp %sub3A_23 : vector<1024x128xf32>
    %reduce_sum3A = arith.constant dense<0.000000e+00> : vector<1024xf32>
    %reduce_sum3A_24 = vector.multi_reduction <add>, %exp3A, %reduce_sum3A [1] : vector<1024x128xf32> to vector<1024xf32>
    %broadcast_in_dim3A_25 = vector.shape_cast %reduce_sum3A_24 : vector<1024xf32> to vector<1024x1xf32>
    %sub3A_26 = vector.broadcast %broadcast_in_dim3A : vector<1024x1xf32> to vector<1024x128xf32>
    %sub3A_27 = arith.subf %add3A_21, %sub3A_26 : vector<1024x128xf32>
    %log3A = math.log %broadcast_in_dim3A_25 : vector<1024x1xf32>
    %sub3A_28 = vector.broadcast %log3A : vector<1024x1xf32> to vector<1024x128xf32>
    %sub3A_29 = arith.subf %sub3A_27, %sub3A_28 : vector<1024x128xf32>
    %swap3A = arith.constant 0 : index
    %swap3A_30 = arith.constant 0 : index
    %swap3A_31 = vector.load %arg5[%swap3A, %swap3A_30] : memref<1024x128xf32, #tpu.memory_space<vmem>>, vector<1024x128xf32>
    tpu.vector_store %arg5[%swap3A, %swap3A_30], %sub3A_29 {strides = array<i32>} : memref<1024x128xf32, #tpu.memory_space<vmem>>, vector<1024x128xf32>,
    return
  }
  func.func @transform_0(%arg0: i32) -> (i32, i32) {
    %c0_i32 = arith.constant 0 : i32
    %c0_i32_0 = arith.constant 0 : i32
    return %arg0, %c0_i32 : i32, i32
  }
  func.func @transform_1(%arg0: i32) -> (i32, i32, i32) {
    %c0_i32 = arith.constant 0 : i32
    %c0_i32_0 = arith.constant 0 : i32
    %c0_i32_1 = arith.constant 0 : i32
    return %c0_i32, %arg0, %c0_i32_0 : i32, i32, i32
  }
  func.func @transform_2(%arg0: i32) -> (i32, i32) {
    %c0_i32 = arith.constant 0 : i32
    %c0_i32_0 = arith.constant 0 : i32
    return %arg0, %c0_i32 : i32, i32
  }
  func.func @transform_3(%arg0: i32) -> (i32, i32) {
    %c0_i32 = arith.constant 0 : i32
    %c0_i32_0 = arith.constant 0 : i32
    %c0_i32_1 = arith.constant 0 : i32
    return %c0_i32, %c0_i32_0 : i32, i32
  }
  func.func @transform_4(%arg0: i32) -> (i32, i32) {
    %c0_i32 = arith.constant 0 : i32
    %c0_i32_0 = arith.constant 0 : i32
    return %arg0, %c0_i32 : i32, i32
  }
}

</mosaic_0001>

<sc_bundles>
// kernel: kernel.11.cloned.1.call-start
scs
__scs_entry_jumppad:
0x0: {  	(pc) =	sbr.rel $0x88, $3  }
0x1: {  	(tag) =	ssettag $0x0;
	lr =	simm.s32 $0x1  }
0x2: {  	[smem:$0x3F9B] =	sst lr;
	_ =	strace $0xD0000000  }
0x3: {  	_ = 	snop  }
0x4: {  	_ = 	snop  }
0x5: {  	_ = 	snop  }
0x6: {  	_ = 	snop  }
0x7: {  	_ = 	snop  }
__scs_overlays_trampoline_lowered:
0x8: {  	[smem:$0x3FAA] =	sst s0  }
0x9: {  	[smem:$0x3FAB] =	sst s1  }
0xa: {  	[smem:$0x3FAC] =	sst s2  }
0xb: {  	[smem:$0x3FAD] =	sst s3  }
0xc: {  	[smem:$0x3FAE] =	sst s4  }
0xd: {  	[smem:$0x3FAF] =	sst s5  }
0xe: {  	[smem:$0x3FB0] =	sst s6  }
0xf: {  	[smem:$0x3FB1] =	sst s7  }
0x10: {  	[smem:$0x3FB2] =	sst s8  }
0x11: {  	[smem:$0x3FB3] =	sst s9;
	s0 =	simm.s32 @!p0 $0x0  }
0x12: {  	s1 =	sld [smem:$0x3F99];
	s0 =	simm.s32 @p0 $0x1  }
0x13: {  	[smem:$0x3FB4] =	sst s0;
	s0 =	simm.s32 @!p1 $0x0  }
0x14: {  	s2 =	sld [smem:$0x3F98];
	s0 =	simm.s32 @p1 $0x1  }
0x15: {  	[smem:$0x3FB5] =	sst s0;
	s0 =	simm.s32 @!p2 $0x0  }
0x16: {  	s3 =	sld [smem:$0x3FDB];
	s0 =	simm.s32 @p2 $0x1  }
0x17: {  	s4 =	simm.s32 $0x1BF5;
	[smem:$0x3FB7] =	sst s0  }
0x18: {  	s0 =	sld [smem:$0x3F9A];
	_ =	swait.ge [sflag:s4], $0x0  }
0x19: {  	s7 =	sld [smem:$0x3F9B]  }
0x1a: {  	s8 =	sadd.s32 $0xFFFFE003, lr  }
0x1b: {  	s9 =	sadd.s32 $0xFFFFFEF7, lr;
	s5 =	simm.s32 $0xFFFFFFFF;
	p2 =	slt.u32 s8, $0xFFFFF086  }
0x1c: {  	p1 =	slt.u32 s9, $0xF7A;
	s5 =	simm.s32 @!p2 $0x0  }
0x1d: {  	s5 =	simm.s32 @p1 $0x1;
	p0 =	seq.s32 s7, s2  }
0x1e: {  	s7 =	smul.u32 @!p0 $0xF7A, s2;
	p2 =	seq.s32 @!p0 s5, $0x0  }
0x1f: {  	s9 =	smul.u32 $0xF7A, s1;
	s8 =	simm.s32 @!p0 $0x1BF5;
	p2 =	por !p2, p0  }
0x20: {  	[sflag:s8] =	ssyncset.s32 @!p0 $0xFFFFF086;
	s6 =	sadd.s32 @!p0 s3, s7;
	s7 =	simm.s32 @!p0 $0x108  }
0x21: {  	s3 =	sadd.s32 s3, s9;
	s6 =	sadd.s32 @!p0 $0x88, s6;
	s7 =	simm.s32 @p2 $0x1082  }
0x22: {  	[simem:s7], [sflag:s8] =	dma.local @!p0 [hbm:s6], $0xF7A  }
0x23: {  	s9 =	sor.u32 $0xD0000000, s2;
	s6 =	simm.s32 $0x108;
	_ =	swait.ge @!p0 [sflag:s8], $0x0  }
0x24: {  	s3 =	sadd.s32 $0x88, s3;
	s6 =	simm.s32 @!p1 $0x1082;
	[sflag:s4] =	ssyncset.s32 $0xFFFFF086  }
0x25: {  	[simem:s6], [sflag:s4] =	dma.local [hbm:s3], $0xF7A  }
0x26: {  	[smem:$0x3F9B] =	sst s1;
	(tag) =	ssettag s2;
	_ =	strace s9  }
0x27: {  	s1 =	sld [smem:$0x3FAB]  }
0x28: {  	s2 =	sld [smem:$0x3FAC]  }
0x29: {  	s4 =	sld [smem:$0x3FAE]  }
0x2a: {  	p0 =	seq.s32 s5, $0x0;
	s5 =	sld [smem:$0x3FAF]  }
0x2b: {  	s6 =	sld [smem:$0x3FB0]  }
0x2c: {  	s7 =	sld [smem:$0x3FB1]  }
0x2d: {  	s3 =	simm.s32 $0x108;
	s8 =	sld [smem:$0x3FB2]  }
0x2e: {  	s3 =	simm.s32 @!p0 $0x1082;
	s9 =	sld [smem:$0x3FB3]  }
0x2f: {  	lr =	sadd.s32 s0, s3;
	s0 =	sld [smem:$0x3FAA]  }
0x30: {  	s3 =	sld [smem:$0x3FAD]  }
0x31: {  	[smem:$0x3FB6] =	sst s10  }
0x32: {  	s10 =	sld [smem:$0x3FB4];
	_ =	sdelay $0x3  }
0x33: {  	p0 =	seq.s32 s10, $0x1;
	s10 =	sld [smem:$0x3FB6];
	_ =	sdelay $0x3  }
0x34: {  	[smem:$0x3FB6] =	sst s10  }
0x35: {  	s10 =	sld [smem:$0x3FB5];
	_ =	sdelay $0x3  }
0x36: {  	p1 =	seq.s32 s10, $0x1;
	s10 =	sld [smem:$0x3FB6];
	_ =	sdelay $0x3  }
0x37: {  	[smem:$0x3FB6] =	sst s10  }
0x38: {  	s10 =	sld [smem:$0x3FB7]  }
0x39: {  	_ = 	snop;
	(pc) =	sbr.ind lr, $3  }
0x3a: {  	_ = 	snop  }
0x3b: {  	_ = 	snop  }
0x3c: {  	p2 =	seq.s32 s10, $0x1;
	s10 =	sld [smem:$0x3FB6]  }
0x3d: {  	_ =	shalt  }
0x3e: {  	_ =	shalt  }
0x3f: {  	_ =	shalt  }
0x40: {  	_ =	shalt  }
0x41: {  	_ =	shalt  }
0x42: {  	_ =	shalt  }
0x43: {  	_ =	shalt  }
0x44: {  	_ =	shalt  }
0x45: {  	_ =	shalt  }
0x46: {  	_ =	shalt  }
0x47: {  	_ =	shalt  }
0x48: {  	_ =	shalt  }
0x49: {  	_ =	shalt  }
0x4a: {  	_ =	shalt  }
0x4b: {  	_ =	shalt  }
0x4c: {  	_ =	shalt  }
0x4d: {  	_ =	shalt  }
0x4e: {  	_ =	shalt  }
0x4f: {  	_ =	shalt  }
0x50: {  	_ =	shalt  }
0x51: {  	_ =	shalt  }
0x52: {  	_ =	shalt  }
0x53: {  	_ =	shalt  }
0x54: {  	_ =	shalt  }
0x55: {  	_ =	shalt  }
0x56: {  	_ =	shalt  }
0x57: {  	_ =	shalt  }
0x58: {  	_ =	shalt  }
0x59: {  	_ =	shalt  }
0x5a: {  	_ =	shalt  }
0x5b: {  	_ =	shalt  }
0x5c: {  	_ =	shalt  }
0x5d: {  	_ =	shalt  }
0x5e: {  	_ =	shalt  }
0x5f: {  	_ =	shalt  }
0x60: {  	_ =	shalt  }
0x61: {  	_ =	shalt  }
0x62: {  	_ =	shalt  }
0x63: {  	_ =	shalt  }
0x64: {  	_ =	shalt  }
0x65: {  	_ =	shalt  }
0x66: {  	_ =	shalt  }
0x67: {  	_ =	shalt  }
0x68: {  	_ =	shalt  }
0x69: {  	_ =	shalt  }
0x6a: {  	_ =	shalt  }
0x6b: {  	_ =	shalt  }
0x6c: {  	_ =	shalt  }
0x6d: {  	_ =	shalt  }
0x6e: {  	_ =	shalt  }
0x6f: {  	_ =	shalt  }
0x70: {  	_ =	shalt  }
0x71: {  	_ =	shalt  }
0x72: {  	_ =	shalt  }
0x73: {  	_ =	shalt  }
0x74: {  	_ =	shalt  }
0x75: {  	_ =	shalt  }
0x76: {  	_ =	shalt  }
0x77: {  	_ =	shalt  }
0x78: {  	_ =	shalt  }
0x79: {  	_ =	shalt  }
0x7a: {  	_ =	shalt  }
0x7b: {  	_ =	shalt  }
0x7c: {  	_ =	shalt  }
0x7d: {  	_ =	shalt  }
0x7e: {  	_ =	shalt  }
0x7f: {  	_ =	shalt  }
0x80: {  	_ =	shalt  }
0x81: {  	_ =	shalt  }
0x82: {  	_ =	shalt  }
0x83: {  	_ =	shalt  }
0x84: {  	_ =	shalt  }
0x85: {  	_ =	shalt  }
0x86: {  	_ =	shalt  }
0x87: {  	_ =	shalt  }
.Lfunc_end0:
.L_simem_size_0:
called_computation.1_lowered:
.L_overlay_start_0:
0x88: {  	s2 =	sld [smem:$0x3FD9]  }
0x89: {  	s3 =	sld [smem:$0x3FFE];
	_ =	sdelay $0x1  }
0x8a: {  	s1 =	srdreg.scid  }
0x8b: {  	s0 =	sand.u32 $0x1, s1  }
0x8c: {  	s17 =	sshll.u32 s0, $0xA;
	s2 =	sadd.s32 s3, s2  }
0x8d: {  	s2 =	sadd.s32 s2, s17  }
0x8e: {  	[smem:$0x3FC2] =	sst s2  }
0x8f: {  	_ = 	snop  }
0x90: {  	s2 =	sld [smem:$0x3FD0];
	(tm) =	ssettm $0x1  }
0x91: {  	s18 =	sld [smem:$0x3FFB];
	_ =	sdelay $0x3  }
0x92: {  	_ =	strace s18  }
0x93: {  	s3 =	sld [smem:$0x3FFC];
	_ =	sdelay $0x3  }
0x94: {  	_ =	strace s3  }
0x95: {  	s3 =	sld [smem:$0x3FFD];
	_ =	sdelay $0x3  }
0x96: {  	_ =	strace s3  }
0x97: {  	_ =	strace $0x8FFFFFFF  }
0x98: {  	s19 =	sld [smem:$0x3FDB];
	_ =	sdelay $0x1  }
0x99: {  	s4 =	simm.s32 $_scs_section_size  }
0x9a: {  	s5 =	simm.s32 $_size__tile_overlayer_lowered;
	s6 =	simm.s32 $_tile_overlayer_lowered  }
0x9b: {  	s22 =	simm.s32 $0x1BFF;
	s21 =	sshll.u32 s6, $0x1;
	s3 =	sadd.s32 s4, s19  }
0x9c: {  	s7 =	simm.s32 $0x0;
	s20 =	sshll.u32 s5, $0x1;
	s5 =	sadd.s32 s21, s3  }
0x9d: {  	[timem:s7], [sflag:s22] =	dma.local [hbm:s5], s20  }
0x9e: {  	_ =	swait.ge [sflag:s22], s20  }
0x9f: {  	s4 =	ssub.s32 $0x0, s20;
	[sflag:s22] =	ssyncset.done $0x0  }
0xa0: {  	[sflag:s22] =	ssyncadd.s32 s4;
	_ =	sdelay $0x1  }
0xa1: {  	s23 =	simm.s32 $0x1B8B  }
0xa2: {  	_ =	swait.ge [sflag:s23], $0x1  }
0xa3: {  	[sflag:s23] =	ssyncset.done $0x0  }
0xa4: {  	s25 =	simm.s32 $0x1B8E;
	s24 =	sld [smem:$0x3FFE];
	[sflag:s23] =	ssyncadd.s32 $0xFFFFFFFF  }
0xa5: {  	s26 =	simm.s32 $execute0_lowered;
	[smem:$0x3FD2] =	sst s25  }
0xa6: {  	s5 =	sshll.u32 s26, $0x1;
	_ =	strace $0x80000049;
	[dreg:$0x1] =	wrdreg $0xFFFFFFFF  }
0xa7: {  	s28 =	simm.s32 $_size_execute0_lowered;
	s3 =	sadd.s32 s3, s5;
	[dreg:$0x0] =	wrdreg $0x0  }
0xa8: {  	s5 =	sshll.u32 s28, $0x1;
	[dreg:$0x2] =	wrdreg s3  }
0xa9: {  	[dreg:$0x3] =	wrdreg s5  }
0xaa: {  	[dreg:$0x4] =	wrdreg $0xC0  }
0xab: {  	_ =	task [dreg:s7], $0x5FFFF  }
0xac: {  	[dreg:$0x1] =	wrdreg $0xFFFFFFFF  }
0xad: {  	[dreg:$0x0] =	wrdreg $0x60  }
0xae: {  	[dreg:$0x2] =	wrdreg s24  }
0xaf: {  	[dreg:$0x3] =	wrdreg s2  }
0xb0: {  	[dreg:$0x4] =	wrdreg $0xA8000  }
0xb1: {  	[dreg:$0x5] =	wrdreg $0x9  }
0xb2: {  	_ =	task.clear_ibuf [dreg:s7], $0x6FFFF;
	_ =	strace $0x90000049  }
0xb3: {  	s29 =	simm.s32 $0x9;
	_ =	strace $0x8000004B  }
0xb4: {  	_ =	swait.ge [sflag:s29], $0x1  }
0xb5: {  	[sflag:s29] =	ssyncadd.s32 $0xFFFFFFFF  }
0xb6: {  	_ =	strace $0x9000004B  }
0xb7: {  	_ =	sfence  }
0xb8: {  	s30 =	sld [smem:$0x0];
	_ =	sdelay $0x2  }
0xb9: {  	s31 =	sshll.u32 s1, $0xD;
	s1 =	sshrl.u32 s1, $0x2  }
0xba: {  	s3 =	sand.u32 $0x4000, s31;
	s1 =	sadd.s32 s1, s30  }
0xbb: {  	s0 =	sor.u32 s3, s0;
	s1 =	sshll.u32 s1, $0x11  }
0xbc: {  	s0 =	sor.u32 s1, s0  }
0xbd: {  	s0 =	sadd.s32 $0x8F2B, s0  }
0xbe: {  	[sflag:s0] =	ssyncadd.remote.s32 $0x1  }
0xbf: {  	_ =	sfence.sel $0xFFFF  }
0xc0: {  	[dreg:$0x0] =	wrdreg $0xFFFFFFFF;
	(pc) =	sbr.abs _section_cstart, $3  }
0xc1: {  	[dreg:$0x1] =	wrdreg $0xFFFFFFFF  }
0xc2: {  	_ =	task.clear_ibuf [dreg:s7], $0x2FFFF;
	_ =	strace $0x9FFFFFFF  }
0xc3: {  	(tm) =	ssettm $0x7FFFFFFF  }
tec
execute0_lowered:
.L_overlay_start_1:
0x0: {  	(tag) =	ssettag $0x1  }
0x1: {  	s0 =	rddreg [dreg:$0x0]  }
0x2: {  	s1 =	rddreg [dreg:$0x1]  }
0x3: {  	s3 =	srdreg.scid;
	s13 =	stileid.u32  }
0x4: {  	s2 =	rddreg [dreg:$0x2];
	s28 =	simm.s32 $0x2800;
	s7 =	smul.u32 $0x280, s13  }
0x5: {  	s29 =	simm.s32 $0x4800;
	s30 =	simm.s32 $0x80;
	s12 =	smul.u32 $0x14000, s13  }
0x6: {  	s31 =	simm.s32 $0x6800;
	s5 =	sand.u32 $0x1, s3;
	s22 =	smul.u32 $0x50000, s13  }
0x7: {  	s4 =	sshll.u32 s13, $0x1;
	s3 =	simm.s32 $0x0;
	s25 =	smul.u32 $0x2800, s13  }
0x8: {  	s4 =	sor.u32 s5, s4;
	s9 =	ssub.s32 $0x2, s5;
	s5 =	smul.u32 $0x140000, s5  }
0x9: {  	s10 =	sadd.s32 $0x7800, s0;
	[smem:$0x7FF] =	sst s3;
	s6 =	smul.u32 $0x280, s4  }
0xa: {  	_ =	strace $0x8000004A;
	s4 =	sadd.s32 $0x2F800, s0;
	s11 =	sshrl.u32 s9, $0x1  }
0xb: {  	s24 =	sshrl.u32 s22, $0x2;
	s15 =	sadd.s32 $0x100, s7;
	s20 =	sadd.s32 $0x180, s7  }
0xc: {  	s9 =	ssub.s32 s9, s11;
	s23 =	sadd.s32 s5, s12;
	s11 =	sshll.u32 s13, $0x6  }
0xd: {  	s12 =	sadd.s32 $0x80, s7;
	s16 =	sshll.u32 s15, $0x7;
	s22 =	sshll.u32 s20, $0x7  }
0xe: {  	s7 =	sadd.s32 $0x200, s7;
	s8 =	sadd.s32 s6, s0;
	s0 =	sadd.s32 $0x57800, s0  }
0xf: {  	s1 =	sadd.s32 s1, s6;
	s26 =	smax.u32 s9, $0x1;
	s6 =	sadd.s32 s24, s2  }
0x10: {  	s9 =	sadd.s32 s10, s25;
	s11 =	sor.u32 $0x1C04, s11;
	[dreg:$0x5] =	wrdreg s1  }
0x11: {  	s13 =	sshll.u32 s12, $0x7;
	s21 =	sadd.s32 s16, s2;
	[dreg:$0x7] =	wrdreg s26  }
0x12: {  	s24 =	sshll.u32 s7, $0x4;
	s7 =	sshll.u32 s7, $0x7;
	[dreg:$0x8] =	wrdreg s6  }
0x13: {  	s25 =	sadd.s32 s5, s16;
	s8 =	sadd.s32 $0x2800, s8;
	[dreg:$0x9] =	wrdreg s9  }
0x14: {  	s1 =	sshrl.u32 s23, $0x3;
	s6 =	sshll.u32 s12, $0x4;
	[dreg:$0xc] =	wrdreg s21  }
0x15: {  	s14 =	sadd.s32 s13, s2;
	s23 =	sadd.s32 s22, s2;
	[dreg:$0x4] =	wrdreg s8  }
0x16: {  	s9 =	sshll.u32 s20, $0x4;
	s18 =	sadd.s32 s10, s24;
	[dreg:$0xa] =	wrdreg s14  }
0x17: {  	s19 =	sadd.s32 s7, s2;
	s1 =	sadd.s32 s0, s1;
	[dreg:$0xe] =	wrdreg s23  }
0x18: {  	s24 =	simm.s32 $0x4;
	s6 =	sadd.s32 s10, s6;
	[dreg:$0x6] =	wrdreg s1  }
0x19: {  	[dreg:$0xb] =	wrdreg s6;
	s6 =	sshll.u32 s15, $0x4;
	s1 =	sadd.s32 s5, s13  }
0x1a: {  	s17 =	sadd.s32 s10, s9;
	s6 =	sadd.s32 s10, s6;
	s1 =	sshrl.u32 s1, $0x3  }
0x1b: {  	[dreg:$0xd] =	wrdreg s6;
	s20 =	sadd.s32 s0, s1;
	s1 =	sshrl.u32 s25, $0x3  }
.Ltmp0:
0x1c: {  	s6 =	sadd.s32 s5, s22;
	s5 =	sadd.s32 s5, s7;
	(pc) =	sbr.rel .LBB2_1-.Ltmp0, $4  }
0x1d: {  	s25 =	simm.s32 $0x1400;
	s7 =	simm.s32 $0x0;
	s21 =	sadd.s32 s0, s1  }
0x1e: {  	s26 =	sshrl.u32 s6, $0x3;
	s5 =	sshrl.u32 s5, $0x3;
	s1 =	simm.s32 $0x1  }
0x1f: {  	s6 =	simm.s32 $0x3;
	s22 =	sadd.s32 s0, s26;
	s23 =	sadd.s32 s0, s5  }
0x20: {  	s26 =	simm.s32 $0x40;
	s0 =	simm.s32 $0x8800;
	s5 =	simm.s32 $0x2  }
.LBB2_4:
0x21: {  	_ =	swait.ge [sflag:s6], $0x4000  }
0x22: {  	[sflag:s6] =	ssyncset.done $0x0  }
0x23: {  	[sflag:s6] =	ssyncadd.s32 $0xFFFFC000  }
0x24: {  	[bflag:$0x0] =	sbarrier.arrive $0xFFFF  }
0x25: {  	s14 =	rddreg [dreg:$0x6]  }
0x26: {  	[hbm:s14], [sflag:s11] =	dma.local [spmem:s8], $0x800  }
0x27: {  	_ =	swait.ge [sflag:s24], $0x800  }
0x28: {  	[sflag:s24] =	ssyncset.done $0x0  }
0x29: {  	[sflag:s24] =	ssyncadd.s32 $0xFFFFF800  }
0x2a: {  	[hbm:s20], [sflag:s11] =	dma.local [spmem:s9], $0x800  }
0x2b: {  	_ =	swait.ge [sflag:s24], $0x800  }
0x2c: {  	[sflag:s24] =	ssyncset.done $0x0  }
0x2d: {  	[sflag:s24] =	ssyncadd.s32 $0xFFFFF800  }
0x2e: {  	[hbm:s21], [sflag:s11] =	dma.local [spmem:s10], $0x800  }
0x2f: {  	_ =	swait.ge [sflag:s24], $0x800  }
0x30: {  	[sflag:s24] =	ssyncset.done $0x0  }
0x31: {  	[sflag:s24] =	ssyncadd.s32 $0xFFFFF800  }
0x32: {  	[hbm:s22], [sflag:s11] =	dma.local [spmem:s12], $0x800  }
0x33: {  	_ =	swait.ge [sflag:s24], $0x800  }
0x34: {  	[sflag:s24] =	ssyncset.done $0x0  }
0x35: {  	[sflag:s24] =	ssyncadd.s32 $0xFFFFF800  }
0x36: {  	[hbm:s23], [sflag:s11] =	dma.local [spmem:s13], $0x800  }
0x37: {  	_ =	swait.ge [sflag:s24], $0x800  }
0x38: {  	s7 =	sadd.s32 $0x1, s7;
	s16 =	rddreg [dreg:$0x7]  }
0x39: {  	p0 =	sne.s32 s7, s16  }
.Ltmp1:
0x3a: {  	_ = 	snop;
	(pc) =	sbr.rel @!p0 .LBB2_5-.Ltmp1, $3  }
0x3b: {  	_ =	sdelay $0x1  }
0x3c: {  	[sflag:s24] =	ssyncset.done $0x0  }
0x3d: {  	[sflag:s24] =	ssyncadd.s32 $0xFFFFF800  }
.LBB2_1:
0x3e: {  	s8 =	rddreg [dreg:$0x8]  }
0x3f: {  	s9 =	rddreg [dreg:$0x9];
	s8 =	sshrl.u32 s8, $0x3  }
0x40: {  	[spmem:s8], [sflag:s11] =	dma.local [hbm:s9], $0x800  }
0x41: {  	_ =	swait.ge [sflag:s24], $0x800  }
0x42: {  	[sflag:s24] =	ssyncset.done $0x0;
	s13 =	rddreg [dreg:$0xa]  }
0x43: {  	s10 =	rddreg [dreg:$0xb];
	[sflag:s24] =	ssyncadd.s32 $0xFFFFF800;
	s9 =	sshrl.u32 s13, $0x3  }
0x44: {  	[spmem:s9], [sflag:s11] =	dma.local [hbm:s10], $0x800  }
0x45: {  	_ =	swait.ge [sflag:s24], $0x800  }
0x46: {  	[sflag:s24] =	ssyncset.done $0x0;
	s14 =	rddreg [dreg:$0xc]  }
0x47: {  	s12 =	rddreg [dreg:$0xd];
	[sflag:s24] =	ssyncadd.s32 $0xFFFFF800;
	s10 =	sshrl.u32 s14, $0x3  }
0x48: {  	[spmem:s10], [sflag:s11] =	dma.local [hbm:s12], $0x800  }
0x49: {  	_ =	swait.ge [sflag:s24], $0x800  }
0x4a: {  	[sflag:s24] =	ssyncset.done $0x0;
	s15 =	rddreg [dreg:$0xe]  }
0x4b: {  	[sflag:s24] =	ssyncadd.s32 $0xFFFFF800;
	s12 =	sshrl.u32 s15, $0x3  }
0x4c: {  	[spmem:s12], [sflag:s11] =	dma.local [hbm:s17], $0x800  }
0x4d: {  	_ =	swait.ge [sflag:s24], $0x800  }
0x4e: {  	[sflag:s24] =	ssyncset.done $0x0  }
0x4f: {  	s13 =	sshrl.u32 s19, $0x3;
	[sflag:s24] =	ssyncadd.s32 $0xFFFFF800  }
0x50: {  	[spmem:s13], [sflag:s11] =	dma.local [hbm:s18], $0x800  }
0x51: {  	_ =	swait.ge [sflag:s24], $0x800  }
0x52: {  	[sflag:s24] =	ssyncset.done $0x0  }
0x53: {  	s14 =	rddreg [dreg:$0x4];
	[sflag:s24] =	ssyncadd.s32 $0xFFFFF800  }
0x54: {  	[tilespmem:s3], [sflag:$0x4] =	stream.linear.gather [hbm4b:s14+s3], $0x1400, $0x38;
	[tilespmem:$0x1E800] =	vst v63  }
0x55: {  	_ =	swait.ge [sflag:s24], $0x1400  }
0x56: {  	[sflag:s24] =	ssyncset.done $0x0  }
0x57: {  	s16 =	rddreg [dreg:$0x5];
	[sflag:s24] =	ssyncadd.s32 $0xFFFFEC00  }
0x58: {  	[tilespmem:s25], [sflag:$0x4] =	stream.linear.gather [hbm4b:s16+s3], $0x1400, $0x38;
	[tilespmem:$0x1E800] =	vst v63  }
0x59: {  	_ =	swait.ge [sflag:s24], $0x1400  }
0x5a: {  	[sflag:s24] =	ssyncset.done $0x0  }
0x5b: {  	[sflag:s24] =	ssyncadd.s32 $0xFFFFEC00  }
0x5c: {  	[bflag:$0x0] =	sbarrier.arrive $0xFFFF  }
0x5d: {  	[tilespmem:s28], [sflag:$0x1] =	stream.indirect.gather [hbm4b:s4+s26], $0x80, s3, s26, $0xb8;
	[tilespmem:$0x1E800] =	vst v63  }
0x5e: {  	_ = 	snop  }
0x5f: {  	[tilespmem:s29], [sflag:$0x1] =	stream.indirect.gather [hbm4b:s4+s26], $0x80, s26, s26, $0xb8;
	[tilespmem:$0x1E800] =	vst v63  }
0x60: {  	_ = 	snop  }
0x61: {  	[tilespmem:s31], [sflag:$0x2] =	stream.indirect.gather [hbm4b:s4+s26], $0x80, s30, s26, $0xb8;
	[tilespmem:$0x1E800] =	vst v63  }
0x62: {  	s15 =	simm.s32 $0xC0  }
0x63: {  	[tilespmem:s0], [sflag:$0x2] =	stream.indirect.gather [hbm4b:s4+s26], $0x80, s15, s26, $0xb8;
	[tilespmem:$0x1E800] =	vst v63  }
0x64: {  	_ =	swait.ge [sflag:s1], $0x4000  }
0x65: {  	[sflag:s1] =	ssyncset.done $0x0  }
0x66: {  	[sflag:s1] =	ssyncadd.s32 $0xFFFFC000  }
0x67: {  	[spmem:s2] =	stream.indirect.scatter.add.f32 [tilespmem:s28], [sflag:$0x3], $0x80, s25, s30, $0xb8;
	[tilespmem:$0x1E800] =	vst v63  }
0x68: {  	_ =	swait.ge [sflag:s5], $0x4000  }
0x69: {  	[sflag:s5] =	ssyncset.done $0x0  }
0x6a: {  	[sflag:s5] =	ssyncadd.s32 $0xFFFFC000  }
0x6b: {  	_ =	swait.ge [sflag:s6], $0x4000  }
0x6c: {  	[sflag:s6] =	ssyncset.done $0x0  }
0x6d: {  	s16 =	simm.s32 $0x1480;
	[sflag:s6] =	ssyncadd.s32 $0xFFFFC000  }
0x6e: {  	[spmem:s2] =	stream.indirect.scatter.add.f32 [tilespmem:s31], [sflag:$0x3], $0x80, s16, s30, $0xb8;
	[tilespmem:$0x1E800] =	vst v63  }
0x6f: {  	s15 =	simm.s32 $0x100  }
0x70: {  	[tilespmem:s28], [sflag:$0x1] =	stream.indirect.gather [hbm4b:s4+s26], $0x80, s15, s26, $0xb8;
	[tilespmem:$0x1E800] =	vst v63  }
0x71: {  	s14 =	simm.s32 $0x0;
	s16 =	simm.s32 $0x140  }
0x72: {  	[tilespmem:s29], [sflag:$0x1] =	stream.indirect.gather [hbm4b:s4+s26], $0x80, s16, s26, $0xb8;
	[tilespmem:$0x1E800] =	vst v63  }
.LBB2_2:
0x73: {  	_ =	swait.ge [sflag:s1], $0x4000  }
0x74: {  	[sflag:s1] =	ssyncset.done $0x0  }
0x75: {  	[sflag:s1] =	ssyncadd.s32 $0xFFFFC000  }
0x76: {  	_ =	swait.ge [sflag:s6], $0x4000  }
0x77: {  	s15 =	sshra.s32 s14, $0x2;
	[sflag:s6] =	ssyncset.done $0x0  }
0x78: {  	s16 =	sadd.s32 $0x1500, s15;
	[sflag:s6] =	ssyncadd.s32 $0xFFFFC000  }
0x79: {  	[spmem:s2] =	stream.indirect.scatter.add.f32 [tilespmem:s28], [sflag:$0x3], $0x80, s16, s30, $0xb8;
	[tilespmem:$0x1E800] =	vst v63  }
0x7a: {  	s16 =	sadd.s32 $0x180, s15  }
0x7b: {  	[tilespmem:s31], [sflag:$0x2] =	stream.indirect.gather [hbm4b:s4+s26], $0x80, s16, s26, $0xb8;
	[tilespmem:$0x1E800] =	vst v63  }
0x7c: {  	s16 =	sadd.s32 $0x1C0, s15  }
0x7d: {  	[tilespmem:s0], [sflag:$0x2] =	stream.indirect.gather [hbm4b:s4+s26], $0x80, s16, s26, $0xb8;
	[tilespmem:$0x1E800] =	vst v63  }
0x7e: {  	_ =	swait.ge [sflag:s5], $0x4000  }
0x7f: {  	p0 =	seq.s32 s14, $0x4800;
	[sflag:s5] =	ssyncset.done $0x0  }
.Ltmp2:
0x80: {  	[sflag:s5] =	ssyncadd.s32 $0xFFFFC000;
	(pc) =	sbr.rel @p0 .LBB2_4-.Ltmp2, $4  }
0x81: {  	_ =	swait.ge [sflag:s6], $0x4000  }
0x82: {  	[sflag:s6] =	ssyncset.done $0x0  }
0x83: {  	s16 =	sadd.s32 $0x1580, s15;
	[sflag:s6] =	ssyncadd.s32 $0xFFFFC000  }
0x84: {  	[spmem:s2] =	stream.indirect.scatter.add.f32 [tilespmem:s31], [sflag:$0x3], $0x80, s16, s30, $0xb8;
	[tilespmem:$0x1E800] =	vst v63  }
.Ltmp3:
0x85: {  	(pc) =	sbr.rel .LBB2_2-.Ltmp3, $4  }
0x86: {  	s16 =	sadd.s32 $0x200, s15  }
0x87: {  	[tilespmem:s28], [sflag:$0x1] =	stream.indirect.gather [hbm4b:s4+s26], $0x80, s16, s26, $0xb8;
	[tilespmem:$0x1E800] =	vst v63  }
0x88: {  	s14 =	sadd.s32 $0x400, s14;
	s16 =	sadd.s32 $0x240, s15  }
0x89: {  	[tilespmem:s29], [sflag:$0x1] =	stream.indirect.gather [hbm4b:s4+s26], $0x80, s16, s26, $0xb8;
	[tilespmem:$0x1E800] =	vst v63  }
.LBB2_5:
0x8a: {  	_ =	sfence.sel $0x180000  }
0x8b: {  	[bflag:$0x0] =	sbarrier.arrive $0xFFFF  }
0x8c: {  	_ =	strace $0x9000004A  }
0x8d: {  	s0 =	stileid.u32;
	[bflag:$0x2] =	sbarrier.arrive $0xFFFF  }
0x8e: {  	p0 =	sne.s32 s0, $0x0;
	s0 =	rddreg [dreg:$0x3]  }
0x8f: {  	s0 =	sadd.s32 @!p0 $0x100000, s0  }
0x90: {  	[sflag:s0] =	ssyncadd.tile.s32 @!p0 $0x1;
	_ =	shalt  }
.Lfunc_end2:
_tile_overlayer_lowered:
.L_overlay_start_2:
0x91: {  	(tag) =	ssettag $0x2  }
0x92: {  	s0 =	rddreg [dreg:$0x0];
	s2 =	stileid.u32  }
0x93: {  	s1 =	rddreg [dreg:$0x1];
	p0 =	sne.s32 s2, $0x0  }
0x94: {  	s3 =	rddreg [dreg:$0x2];
	[bflag:$0x3] =	sbarrier.arrive $0xFFFF;
	s2 =	simm.s32 @!p0 $0x1C04  }
0x95: {  	[timem:s3], [sflag:s2] =	dma.local @!p0 [hbm:s0], s1  }
0x96: {  	s0 =	simm.s32 @!p0 $0x4  }
0x97: {  	_ =	swait.ge @!p0 [sflag:s0], s1  }
0x98: {  	s1 =	ssub.s32 @!p0 $0x0, s1;
	[sflag:s0] =	ssyncset.done @!p0 $0x0  }
0x99: {  	[sflag:s0] =	ssyncadd.s32 @!p0 s1  }
0x9a: {  	[bflag:$0x3] =	sbarrier.arrive $0xFFFF  }
0x9b: {  	_ =	shalt  }

// kernel: kernel.14.cloned.1.call-start
scs
__scs_entry_jumppad:
0x0: {  	(pc) =	sbr.rel $0x88, $3  }
0x1: {  	(tag) =	ssettag $0x0;
	lr =	simm.s32 $0x1  }
0x2: {  	[smem:$0x3F9B] =	sst lr;
	_ =	strace $0xD0000000  }
0x3: {  	_ = 	snop  }
0x4: {  	_ = 	snop  }
0x5: {  	_ = 	snop  }
0x6: {  	_ = 	snop  }
0x7: {  	_ = 	snop  }
__scs_overlays_trampoline_lowered:
0x8: {  	[smem:$0x3FAA] =	sst s0  }
0x9: {  	[smem:$0x3FAB] =	sst s1  }
0xa: {  	[smem:$0x3FAC] =	sst s2  }
0xb: {  	[smem:$0x3FAD] =	sst s3  }
0xc: {  	[smem:$0x3FAE] =	sst s4  }
0xd: {  	[smem:$0x3FAF] =	sst s5  }
0xe: {  	[smem:$0x3FB0] =	sst s6  }
0xf: {  	[smem:$0x3FB1] =	sst s7  }
0x10: {  	[smem:$0x3FB2] =	sst s8  }
0x11: {  	[smem:$0x3FB3] =	sst s9;
	s0 =	simm.s32 @!p0 $0x0  }
0x12: {  	s1 =	sld [smem:$0x3F99];
	s0 =	simm.s32 @p0 $0x1  }
0x13: {  	[smem:$0x3FB4] =	sst s0;
	s0 =	simm.s32 @!p1 $0x0  }
0x14: {  	s2 =	sld [smem:$0x3F98];
	s0 =	simm.s32 @p1 $0x1  }
0x15: {  	[smem:$0x3FB5] =	sst s0;
	s0 =	simm.s32 @!p2 $0x0  }
0x16: {  	s3 =	sld [smem:$0x3FDB];
	s0 =	simm.s32 @p2 $0x1  }
0x17: {  	s4 =	simm.s32 $0x1BF5;
	[smem:$0x3FB7] =	sst s0  }
0x18: {  	s0 =	sld [smem:$0x3F9A];
	_ =	swait.ge [sflag:s4], $0x0  }
0x19: {  	s7 =	sld [smem:$0x3F9B]  }
0x1a: {  	s8 =	sadd.s32 $0xFFFFE003, lr  }
0x1b: {  	s9 =	sadd.s32 $0xFFFFFEF7, lr;
	s5 =	simm.s32 $0xFFFFFFFF;
	p2 =	slt.u32 s8, $0xFFFFF086  }
0x1c: {  	p1 =	slt.u32 s9, $0xF7A;
	s5 =	simm.s32 @!p2 $0x0  }
0x1d: {  	s5 =	simm.s32 @p1 $0x1;
	p0 =	seq.s32 s7, s2  }
0x1e: {  	s7 =	smul.u32 @!p0 $0xF7A, s2;
	p2 =	seq.s32 @!p0 s5, $0x0  }
0x1f: {  	s9 =	smul.u32 $0xF7A, s1;
	s8 =	simm.s32 @!p0 $0x1BF5;
	p2 =	por !p2, p0  }
0x20: {  	[sflag:s8] =	ssyncset.s32 @!p0 $0xFFFFF086;
	s6 =	sadd.s32 @!p0 s3, s7;
	s7 =	simm.s32 @!p0 $0x108  }
0x21: {  	s3 =	sadd.s32 s3, s9;
	s6 =	sadd.s32 @!p0 $0x88, s6;
	s7 =	simm.s32 @p2 $0x1082  }
0x22: {  	[simem:s7], [sflag:s8] =	dma.local @!p0 [hbm:s6], $0xF7A  }
0x23: {  	s9 =	sor.u32 $0xD0000000, s2;
	s6 =	simm.s32 $0x108;
	_ =	swait.ge @!p0 [sflag:s8], $0x0  }
0x24: {  	s3 =	sadd.s32 $0x88, s3;
	s6 =	simm.s32 @!p1 $0x1082;
	[sflag:s4] =	ssyncset.s32 $0xFFFFF086  }
0x25: {  	[simem:s6], [sflag:s4] =	dma.local [hbm:s3], $0xF7A  }
0x26: {  	[smem:$0x3F9B] =	sst s1;
	(tag) =	ssettag s2;
	_ =	strace s9  }
0x27: {  	s1 =	sld [smem:$0x3FAB]  }
0x28: {  	s2 =	sld [smem:$0x3FAC]  }
0x29: {  	s4 =	sld [smem:$0x3FAE]  }
0x2a: {  	p0 =	seq.s32 s5, $0x0;
	s5 =	sld [smem:$0x3FAF]  }
0x2b: {  	s6 =	sld [smem:$0x3FB0]  }
0x2c: {  	s7 =	sld [smem:$0x3FB1]  }
0x2d: {  	s3 =	simm.s32 $0x108;
	s8 =	sld [smem:$0x3FB2]  }
0x2e: {  	s3 =	simm.s32 @!p0 $0x1082;
	s9 =	sld [smem:$0x3FB3]  }
0x2f: {  	lr =	sadd.s32 s0, s3;
	s0 =	sld [smem:$0x3FAA]  }
0x30: {  	s3 =	sld [smem:$0x3FAD]  }
0x31: {  	[smem:$0x3FB6] =	sst s10  }
0x32: {  	s10 =	sld [smem:$0x3FB4];
	_ =	sdelay $0x3  }
0x33: {  	p0 =	seq.s32 s10, $0x1;
	s10 =	sld [smem:$0x3FB6];
	_ =	sdelay $0x3  }
0x34: {  	[smem:$0x3FB6] =	sst s10  }
0x35: {  	s10 =	sld [smem:$0x3FB5];
	_ =	sdelay $0x3  }
0x36: {  	p1 =	seq.s32 s10, $0x1;
	s10 =	sld [smem:$0x3FB6];
	_ =	sdelay $0x3  }
0x37: {  	[smem:$0x3FB6] =	sst s10  }
0x38: {  	s10 =	sld [smem:$0x3FB7]  }
0x39: {  	_ = 	snop;
	(pc) =	sbr.ind lr, $3  }
0x3a: {  	_ = 	snop  }
0x3b: {  	_ = 	snop  }
0x3c: {  	p2 =	seq.s32 s10, $0x1;
	s10 =	sld [smem:$0x3FB6]  }
0x3d: {  	_ =	shalt  }
0x3e: {  	_ =	shalt  }
0x3f: {  	_ =	shalt  }
0x40: {  	_ =	shalt  }
0x41: {  	_ =	shalt  }
0x42: {  	_ =	shalt  }
0x43: {  	_ =	shalt  }
0x44: {  	_ =	shalt  }
0x45: {  	_ =	shalt  }
0x46: {  	_ =	shalt  }
0x47: {  	_ =	shalt  }
0x48: {  	_ =	shalt  }
0x49: {  	_ =	shalt  }
0x4a: {  	_ =	shalt  }
0x4b: {  	_ =	shalt  }
0x4c: {  	_ =	shalt  }
0x4d: {  	_ =	shalt  }
0x4e: {  	_ =	shalt  }
0x4f: {  	_ =	shalt  }
0x50: {  	_ =	shalt  }
0x51: {  	_ =	shalt  }
0x52: {  	_ =	shalt  }
0x53: {  	_ =	shalt  }
0x54: {  	_ =	shalt  }
0x55: {  	_ =	shalt  }
0x56: {  	_ =	shalt  }
0x57: {  	_ =	shalt  }
0x58: {  	_ =	shalt  }
0x59: {  	_ =	shalt  }
0x5a: {  	_ =	shalt  }
0x5b: {  	_ =	shalt  }
0x5c: {  	_ =	shalt  }
0x5d: {  	_ =	shalt  }
0x5e: {  	_ =	shalt  }
0x5f: {  	_ =	shalt  }
0x60: {  	_ =	shalt  }
0x61: {  	_ =	shalt  }
0x62: {  	_ =	shalt  }
0x63: {  	_ =	shalt  }
0x64: {  	_ =	shalt  }
0x65: {  	_ =	shalt  }
0x66: {  	_ =	shalt  }
0x67: {  	_ =	shalt  }
0x68: {  	_ =	shalt  }
0x69: {  	_ =	shalt  }
0x6a: {  	_ =	shalt  }
0x6b: {  	_ =	shalt  }
0x6c: {  	_ =	shalt  }
0x6d: {  	_ =	shalt  }
0x6e: {  	_ =	shalt  }
0x6f: {  	_ =	shalt  }
0x70: {  	_ =	shalt  }
0x71: {  	_ =	shalt  }
0x72: {  	_ =	shalt  }
0x73: {  	_ =	shalt  }
0x74: {  	_ =	shalt  }
0x75: {  	_ =	shalt  }
0x76: {  	_ =	shalt  }
0x77: {  	_ =	shalt  }
0x78: {  	_ =	shalt  }
0x79: {  	_ =	shalt  }
0x7a: {  	_ =	shalt  }
0x7b: {  	_ =	shalt  }
0x7c: {  	_ =	shalt  }
0x7d: {  	_ =	shalt  }
0x7e: {  	_ =	shalt  }
0x7f: {  	_ =	shalt  }
0x80: {  	_ =	shalt  }
0x81: {  	_ =	shalt  }
0x82: {  	_ =	shalt  }
0x83: {  	_ =	shalt  }
0x84: {  	_ =	shalt  }
0x85: {  	_ =	shalt  }
0x86: {  	_ =	shalt  }
0x87: {  	_ =	shalt  }
.Lfunc_end0:
.L_simem_size_0:
called_computation.2_lowered:
.L_overlay_start_0:
0x88: {  	s2 =	sld [smem:$0x3FD9]  }
0x89: {  	s3 =	sld [smem:$0x3FFE];
	_ =	sdelay $0x1  }
0x8a: {  	s1 =	srdreg.scid  }
0x8b: {  	s0 =	sand.u32 $0x1, s1  }
0x8c: {  	s17 =	sshll.u32 s0, $0xA;
	s2 =	sadd.s32 s3, s2  }
0x8d: {  	s2 =	sadd.s32 s2, s17  }
0x8e: {  	[smem:$0x3FC2] =	sst s2  }
0x8f: {  	_ = 	snop  }
0x90: {  	s2 =	sld [smem:$0x3FD0];
	(tm) =	ssettm $0x1  }
0x91: {  	s18 =	sld [smem:$0x3FFB];
	_ =	sdelay $0x3  }
0x92: {  	_ =	strace s18  }
0x93: {  	s3 =	sld [smem:$0x3FFC];
	_ =	sdelay $0x3  }
0x94: {  	_ =	strace s3  }
0x95: {  	s3 =	sld [smem:$0x3FFD];
	_ =	sdelay $0x3  }
0x96: {  	_ =	strace s3  }
0x97: {  	_ =	strace $0x8FFFFFFF  }
0x98: {  	s19 =	sld [smem:$0x3FDB];
	_ =	sdelay $0x1  }
0x99: {  	s4 =	simm.s32 $_scs_section_size  }
0x9a: {  	s5 =	simm.s32 $_size__tile_overlayer_lowered;
	s6 =	simm.s32 $_tile_overlayer_lowered  }
0x9b: {  	s22 =	simm.s32 $0x1BFF;
	s21 =	sshll.u32 s6, $0x1;
	s3 =	sadd.s32 s4, s19  }
0x9c: {  	s7 =	simm.s32 $0x0;
	s20 =	sshll.u32 s5, $0x1;
	s5 =	sadd.s32 s21, s3  }
0x9d: {  	[timem:s7], [sflag:s22] =	dma.local [hbm:s5], s20  }
0x9e: {  	_ =	swait.ge [sflag:s22], s20  }
0x9f: {  	s4 =	ssub.s32 $0x0, s20;
	[sflag:s22] =	ssyncset.done $0x0  }
0xa0: {  	[sflag:s22] =	ssyncadd.s32 s4;
	_ =	sdelay $0x1  }
0xa1: {  	s23 =	simm.s32 $0x1B8B  }
0xa2: {  	_ =	swait.ge [sflag:s23], $0x1  }
0xa3: {  	[sflag:s23] =	ssyncset.done $0x0  }
0xa4: {  	s25 =	simm.s32 $0x1B8E;
	s24 =	sld [smem:$0x3FFE];
	[sflag:s23] =	ssyncadd.s32 $0xFFFFFFFF  }
0xa5: {  	s26 =	simm.s32 $execute0_lowered;
	[smem:$0x3FD2] =	sst s25  }
0xa6: {  	s5 =	sshll.u32 s26, $0x1;
	_ =	strace $0x8000004C;
	[dreg:$0x1] =	wrdreg $0xFFFFFFFF  }
0xa7: {  	s28 =	simm.s32 $_size_execute0_lowered;
	s3 =	sadd.s32 s3, s5;
	[dreg:$0x0] =	wrdreg $0x0  }
0xa8: {  	s5 =	sshll.u32 s28, $0x1;
	[dreg:$0x2] =	wrdreg s3  }
0xa9: {  	[dreg:$0x3] =	wrdreg s5  }
0xaa: {  	[dreg:$0x4] =	wrdreg $0xC0  }
0xab: {  	_ =	task [dreg:s7], $0x5FFFF  }
0xac: {  	[dreg:$0x1] =	wrdreg $0xFFFFFFFF  }
0xad: {  	[dreg:$0x0] =	wrdreg $0x60  }
0xae: {  	[dreg:$0x2] =	wrdreg s24  }
0xaf: {  	[dreg:$0x3] =	wrdreg s2  }
0xb0: {  	[dreg:$0x4] =	wrdreg $0xA8000  }
0xb1: {  	[dreg:$0x5] =	wrdreg $0x9  }
0xb2: {  	_ =	task.clear_ibuf [dreg:s7], $0x6FFFF;
	_ =	strace $0x9000004C  }
0xb3: {  	s29 =	simm.s32 $0x9;
	_ =	strace $0x8000004E  }
0xb4: {  	_ =	swait.ge [sflag:s29], $0x1  }
0xb5: {  	[sflag:s29] =	ssyncadd.s32 $0xFFFFFFFF  }
0xb6: {  	_ =	strace $0x9000004E  }
0xb7: {  	_ =	sfence  }
0xb8: {  	s30 =	sld [smem:$0x0];
	_ =	sdelay $0x2  }
0xb9: {  	s31 =	sshll.u32 s1, $0xD;
	s1 =	sshrl.u32 s1, $0x2  }
0xba: {  	s3 =	sand.u32 $0x4000, s31;
	s1 =	sadd.s32 s1, s30  }
0xbb: {  	s0 =	sor.u32 s3, s0;
	s1 =	sshll.u32 s1, $0x11  }
0xbc: {  	s0 =	sor.u32 s1, s0  }
0xbd: {  	s0 =	sadd.s32 $0x8F2B, s0  }
0xbe: {  	[sflag:s0] =	ssyncadd.remote.s32 $0x1  }
0xbf: {  	_ =	sfence.sel $0xFFFF  }
0xc0: {  	[dreg:$0x0] =	wrdreg $0xFFFFFFFF;
	(pc) =	sbr.abs _section_cstart, $3  }
0xc1: {  	[dreg:$0x1] =	wrdreg $0xFFFFFFFF  }
0xc2: {  	_ =	task.clear_ibuf [dreg:s7], $0x2FFFF;
	_ =	strace $0x9FFFFFFF  }
0xc3: {  	(tm) =	ssettm $0x7FFFFFFF  }
tec
execute0_lowered:
.L_overlay_start_1:
0x0: {  	(tag) =	ssettag $0x1  }
0x1: {  	s0 =	rddreg [dreg:$0x0]  }
0x2: {  	s1 =	rddreg [dreg:$0x1]  }
0x3: {  	s3 =	srdreg.scid;
	s13 =	stileid.u32  }
0x4: {  	s2 =	rddreg [dreg:$0x2];
	s28 =	simm.s32 $0x2800;
	s7 =	smul.u32 $0x280, s13  }
0x5: {  	s29 =	simm.s32 $0x4800;
	s30 =	simm.s32 $0x80;
	s12 =	smul.u32 $0x14000, s13  }
0x6: {  	s31 =	simm.s32 $0x6800;
	s5 =	sand.u32 $0x1, s3;
	s22 =	smul.u32 $0x50000, s13  }
0x7: {  	s4 =	sshll.u32 s13, $0x1;
	s3 =	simm.s32 $0x0;
	s25 =	smul.u32 $0x2800, s13  }
0x8: {  	s4 =	sor.u32 s5, s4;
	s9 =	ssub.s32 $0x2, s5;
	s5 =	smul.u32 $0x140000, s5  }
0x9: {  	s10 =	sadd.s32 $0x7800, s0;
	[smem:$0x7FF] =	sst s3;
	s6 =	smul.u32 $0x280, s4  }
0xa: {  	_ =	strace $0x8000004D;
	s4 =	sadd.s32 $0x2F800, s0;
	s11 =	sshrl.u32 s9, $0x1  }
0xb: {  	s24 =	sshrl.u32 s22, $0x2;
	s15 =	sadd.s32 $0x100, s7;
	s20 =	sadd.s32 $0x180, s7  }
0xc: {  	s9 =	ssub.s32 s9, s11;
	s23 =	sadd.s32 s5, s12;
	s11 =	sshll.u32 s13, $0x6  }
0xd: {  	s12 =	sadd.s32 $0x80, s7;
	s16 =	sshll.u32 s15, $0x7;
	s22 =	sshll.u32 s20, $0x7  }
0xe: {  	s7 =	sadd.s32 $0x200, s7;
	s8 =	sadd.s32 s6, s0;
	s0 =	sadd.s32 $0x57800, s0  }
0xf: {  	s1 =	sadd.s32 s1, s6;
	s26 =	smax.u32 s9, $0x1;
	s6 =	sadd.s32 s24, s2  }
0x10: {  	s9 =	sadd.s32 s10, s25;
	s11 =	sor.u32 $0x1C04, s11;
	[dreg:$0x5] =	wrdreg s1  }
0x11: {  	s13 =	sshll.u32 s12, $0x7;
	s21 =	sadd.s32 s16, s2;
	[dreg:$0x7] =	wrdreg s26  }
0x12: {  	s24 =	sshll.u32 s7, $0x4;
	s7 =	sshll.u32 s7, $0x7;
	[dreg:$0x8] =	wrdreg s6  }
0x13: {  	s25 =	sadd.s32 s5, s16;
	s8 =	sadd.s32 $0x2800, s8;
	[dreg:$0x9] =	wrdreg s9  }
0x14: {  	s1 =	sshrl.u32 s23, $0x3;
	s6 =	sshll.u32 s12, $0x4;
	[dreg:$0xc] =	wrdreg s21  }
0x15: {  	s14 =	sadd.s32 s13, s2;
	s23 =	sadd.s32 s22, s2;
	[dreg:$0x4] =	wrdreg s8  }
0x16: {  	s9 =	sshll.u32 s20, $0x4;
	s18 =	sadd.s32 s10, s24;
	[dreg:$0xa] =	wrdreg s14  }
0x17: {  	s19 =	sadd.s32 s7, s2;
	s1 =	sadd.s32 s0, s1;
	[dreg:$0xe] =	wrdreg s23  }
0x18: {  	s24 =	simm.s32 $0x4;
	s6 =	sadd.s32 s10, s6;
	[dreg:$0x6] =	wrdreg s1  }
0x19: {  	[dreg:$0xb] =	wrdreg s6;
	s6 =	sshll.u32 s15, $0x4;
	s1 =	sadd.s32 s5, s13  }
0x1a: {  	s17 =	sadd.s32 s10, s9;
	s6 =	sadd.s32 s10, s6;
	s1 =	sshrl.u32 s1, $0x3  }
0x1b: {  	[dreg:$0xd] =	wrdreg s6;
	s20 =	sadd.s32 s0, s1;
	s1 =	sshrl.u32 s25, $0x3  }
.Ltmp0:
0x1c: {  	s6 =	sadd.s32 s5, s22;
	s5 =	sadd.s32 s5, s7;
	(pc) =	sbr.rel .LBB2_1-.Ltmp0, $4  }
0x1d: {  	s25 =	simm.s32 $0x1400;
	s7 =	simm.s32 $0x0;
	s21 =	sadd.s32 s0, s1  }
0x1e: {  	s26 =	sshrl.u32 s6, $0x3;
	s5 =	sshrl.u32 s5, $0x3;
	s1 =	simm.s32 $0x1  }
0x1f: {  	s6 =	simm.s32 $0x3;
	s22 =	sadd.s32 s0, s26;
	s23 =	sadd.s32 s0, s5  }
0x20: {  	s26 =	simm.s32 $0x40;
	s0 =	simm.s32 $0x8800;
	s5 =	simm.s32 $0x2  }
.LBB2_4:
0x21: {  	_ =	swait.ge [sflag:s6], $0x4000  }
0x22: {  	[sflag:s6] =	ssyncset.done $0x0  }
0x23: {  	[sflag:s6] =	ssyncadd.s32 $0xFFFFC000  }
0x24: {  	[bflag:$0x0] =	sbarrier.arrive $0xFFFF  }
0x25: {  	s14 =	rddreg [dreg:$0x6]  }
0x26: {  	[hbm:s14], [sflag:s11] =	dma.local [spmem:s8], $0x800  }
0x27: {  	_ =	swait.ge [sflag:s24], $0x800  }
0x28: {  	[sflag:s24] =	ssyncset.done $0x0  }
0x29: {  	[sflag:s24] =	ssyncadd.s32 $0xFFFFF800  }
0x2a: {  	[hbm:s20], [sflag:s11] =	dma.local [spmem:s9], $0x800  }
0x2b: {  	_ =	swait.ge [sflag:s24], $0x800  }
0x2c: {  	[sflag:s24] =	ssyncset.done $0x0  }
0x2d: {  	[sflag:s24] =	ssyncadd.s32 $0xFFFFF800  }
0x2e: {  	[hbm:s21], [sflag:s11] =	dma.local [spmem:s10], $0x800  }
0x2f: {  	_ =	swait.ge [sflag:s24], $0x800  }
0x30: {  	[sflag:s24] =	ssyncset.done $0x0  }
0x31: {  	[sflag:s24] =	ssyncadd.s32 $0xFFFFF800  }
0x32: {  	[hbm:s22], [sflag:s11] =	dma.local [spmem:s12], $0x800  }
0x33: {  	_ =	swait.ge [sflag:s24], $0x800  }
0x34: {  	[sflag:s24] =	ssyncset.done $0x0  }
0x35: {  	[sflag:s24] =	ssyncadd.s32 $0xFFFFF800  }
0x36: {  	[hbm:s23], [sflag:s11] =	dma.local [spmem:s13], $0x800  }
0x37: {  	_ =	swait.ge [sflag:s24], $0x800  }
0x38: {  	s7 =	sadd.s32 $0x1, s7;
	s16 =	rddreg [dreg:$0x7]  }
0x39: {  	p0 =	sne.s32 s7, s16  }
.Ltmp1:
0x3a: {  	_ = 	snop;
	(pc) =	sbr.rel @!p0 .LBB2_5-.Ltmp1, $3  }
0x3b: {  	_ =	sdelay $0x1  }
0x3c: {  	[sflag:s24] =	ssyncset.done $0x0  }
0x3d: {  	[sflag:s24] =	ssyncadd.s32 $0xFFFFF800  }
.LBB2_1:
0x3e: {  	s8 =	rddreg [dreg:$0x8]  }
0x3f: {  	s9 =	rddreg [dreg:$0x9];
	s8 =	sshrl.u32 s8, $0x3  }
0x40: {  	[spmem:s8], [sflag:s11] =	dma.local [hbm:s9], $0x800  }
0x41: {  	_ =	swait.ge [sflag:s24], $0x800  }
0x42: {  	[sflag:s24] =	ssyncset.done $0x0;
	s13 =	rddreg [dreg:$0xa]  }
0x43: {  	s10 =	rddreg [dreg:$0xb];
	[sflag:s24] =	ssyncadd.s32 $0xFFFFF800;
	s9 =	sshrl.u32 s13, $0x3  }
0x44: {  	[spmem:s9], [sflag:s11] =	dma.local [hbm:s10], $0x800  }
0x45: {  	_ =	swait.ge [sflag:s24], $0x800  }
0x46: {  	[sflag:s24] =	ssyncset.done $0x0;
	s14 =	rddreg [dreg:$0xc]  }
0x47: {  	s12 =	rddreg [dreg:$0xd];
	[sflag:s24] =	ssyncadd.s32 $0xFFFFF800;
	s10 =	sshrl.u32 s14, $0x3  }
0x48: {  	[spmem:s10], [sflag:s11] =	dma.local [hbm:s12], $0x800  }
0x49: {  	_ =	swait.ge [sflag:s24], $0x800  }
0x4a: {  	[sflag:s24] =	ssyncset.done $0x0;
	s15 =	rddreg [dreg:$0xe]  }
0x4b: {  	[sflag:s24] =	ssyncadd.s32 $0xFFFFF800;
	s12 =	sshrl.u32 s15, $0x3  }
0x4c: {  	[spmem:s12], [sflag:s11] =	dma.local [hbm:s17], $0x800  }
0x4d: {  	_ =	swait.ge [sflag:s24], $0x800  }
0x4e: {  	[sflag:s24] =	ssyncset.done $0x0  }
0x4f: {  	s13 =	sshrl.u32 s19, $0x3;
	[sflag:s24] =	ssyncadd.s32 $0xFFFFF800  }
0x50: {  	[spmem:s13], [sflag:s11] =	dma.local [hbm:s18], $0x800  }
0x51: {  	_ =	swait.ge [sflag:s24], $0x800  }
0x52: {  	[sflag:s24] =	ssyncset.done $0x0  }
0x53: {  	s14 =	rddreg [dreg:$0x4];
	[sflag:s24] =	ssyncadd.s32 $0xFFFFF800  }
0x54: {  	[tilespmem:s3], [sflag:$0x4] =	stream.linear.gather [hbm4b:s14+s3], $0x1400, $0x38;
	[tilespmem:$0x1E800] =	vst v63  }
0x55: {  	_ =	swait.ge [sflag:s24], $0x1400  }
0x56: {  	[sflag:s24] =	ssyncset.done $0x0  }
0x57: {  	s16 =	rddreg [dreg:$0x5];
	[sflag:s24] =	ssyncadd.s32 $0xFFFFEC00  }
0x58: {  	[tilespmem:s25], [sflag:$0x4] =	stream.linear.gather [hbm4b:s16+s3], $0x1400, $0x38;
	[tilespmem:$0x1E800] =	vst v63  }
0x59: {  	_ =	swait.ge [sflag:s24], $0x1400  }
0x5a: {  	[sflag:s24] =	ssyncset.done $0x0  }
0x5b: {  	[sflag:s24] =	ssyncadd.s32 $0xFFFFEC00  }
0x5c: {  	[bflag:$0x0] =	sbarrier.arrive $0xFFFF  }
0x5d: {  	[tilespmem:s28], [sflag:$0x1] =	stream.indirect.gather [hbm4b:s4+s26], $0x80, s3, s26, $0xb8;
	[tilespmem:$0x1E800] =	vst v63  }
0x5e: {  	_ = 	snop  }
0x5f: {  	[tilespmem:s29], [sflag:$0x1] =	stream.indirect.gather [hbm4b:s4+s26], $0x80, s26, s26, $0xb8;
	[tilespmem:$0x1E800] =	vst v63  }
0x60: {  	_ = 	snop  }
0x61: {  	[tilespmem:s31], [sflag:$0x2] =	stream.indirect.gather [hbm4b:s4+s26], $0x80, s30, s26, $0xb8;
	[tilespmem:$0x1E800] =	vst v63  }
0x62: {  	s15 =	simm.s32 $0xC0  }
0x63: {  	[tilespmem:s0], [sflag:$0x2] =	stream.indirect.gather [hbm4b:s4+s26], $0x80, s15, s26, $0xb8;
	[tilespmem:$0x1E800] =	vst v63  }
0x64: {  	_ =	swait.ge [sflag:s1], $0x4000  }
0x65: {  	[sflag:s1] =	ssyncset.done $0x0  }
0x66: {  	[sflag:s1] =	ssyncadd.s32 $0xFFFFC000  }
0x67: {  	[spmem:s2] =	stream.indirect.scatter.add.f32 [tilespmem:s28], [sflag:$0x3], $0x80, s25, s30, $0xb8;
	[tilespmem:$0x1E800] =	vst v63  }
0x68: {  	_ =	swait.ge [sflag:s5], $0x4000  }
0x69: {  	[sflag:s5] =	ssyncset.done $0x0  }
0x6a: {  	[sflag:s5] =	ssyncadd.s32 $0xFFFFC000  }
0x6b: {  	_ =	swait.ge [sflag:s6], $0x4000  }
0x6c: {  	[sflag:s6] =	ssyncset.done $0x0  }
0x6d: {  	s16 =	simm.s32 $0x1480;
	[sflag:s6] =	ssyncadd.s32 $0xFFFFC000  }
0x6e: {  	[spmem:s2] =	stream.indirect.scatter.add.f32 [tilespmem:s31], [sflag:$0x3], $0x80, s16, s30, $0xb8;
	[tilespmem:$0x1E800] =	vst v63  }
0x6f: {  	s15 =	simm.s32 $0x100  }
0x70: {  	[tilespmem:s28], [sflag:$0x1] =	stream.indirect.gather [hbm4b:s4+s26], $0x80, s15, s26, $0xb8;
	[tilespmem:$0x1E800] =	vst v63  }
0x71: {  	s14 =	simm.s32 $0x0;
	s16 =	simm.s32 $0x140  }
0x72: {  	[tilespmem:s29], [sflag:$0x1] =	stream.indirect.gather [hbm4b:s4+s26], $0x80, s16, s26, $0xb8;
	[tilespmem:$0x1E800] =	vst v63  }
.LBB2_2:
0x73: {  	_ =	swait.ge [sflag:s1], $0x4000  }
0x74: {  	[sflag:s1] =	ssyncset.done $0x0  }
0x75: {  	[sflag:s1] =	ssyncadd.s32 $0xFFFFC000  }
0x76: {  	_ =	swait.ge [sflag:s6], $0x4000  }
0x77: {  	s15 =	sshra.s32 s14, $0x2;
	[sflag:s6] =	ssyncset.done $0x0  }
0x78: {  	s16 =	sadd.s32 $0x1500, s15;
	[sflag:s6] =	ssyncadd.s32 $0xFFFFC000  }
0x79: {  	[spmem:s2] =	stream.indirect.scatter.add.f32 [tilespmem:s28], [sflag:$0x3], $0x80, s16, s30, $0xb8;
	[tilespmem:$0x1E800] =	vst v63  }
0x7a: {  	s16 =	sadd.s32 $0x180, s15  }
0x7b: {  	[tilespmem:s31], [sflag:$0x2] =	stream.indirect.gather [hbm4b:s4+s26], $0x80, s16, s26, $0xb8;
	[tilespmem:$0x1E800] =	vst v63  }
0x7c: {  	s16 =	sadd.s32 $0x1C0, s15  }
0x7d: {  	[tilespmem:s0], [sflag:$0x2] =	stream.indirect.gather [hbm4b:s4+s26], $0x80, s16, s26, $0xb8;
	[tilespmem:$0x1E800] =	vst v63  }
0x7e: {  	_ =	swait.ge [sflag:s5], $0x4000  }
0x7f: {  	p0 =	seq.s32 s14, $0x4800;
	[sflag:s5] =	ssyncset.done $0x0  }
.Ltmp2:
0x80: {  	[sflag:s5] =	ssyncadd.s32 $0xFFFFC000;
	(pc) =	sbr.rel @p0 .LBB2_4-.Ltmp2, $4  }
0x81: {  	_ =	swait.ge [sflag:s6], $0x4000  }
0x82: {  	[sflag:s6] =	ssyncset.done $0x0  }
0x83: {  	s16 =	sadd.s32 $0x1580, s15;
	[sflag:s6] =	ssyncadd.s32 $0xFFFFC000  }
0x84: {  	[spmem:s2] =	stream.indirect.scatter.add.f32 [tilespmem:s31], [sflag:$0x3], $0x80, s16, s30, $0xb8;
	[tilespmem:$0x1E800] =	vst v63  }
.Ltmp3:
0x85: {  	(pc) =	sbr.rel .LBB2_2-.Ltmp3, $4  }
0x86: {  	s16 =	sadd.s32 $0x200, s15  }
0x87: {  	[tilespmem:s28], [sflag:$0x1] =	stream.indirect.gather [hbm4b:s4+s26], $0x80, s16, s26, $0xb8;
	[tilespmem:$0x1E800] =	vst v63  }
0x88: {  	s14 =	sadd.s32 $0x400, s14;
	s16 =	sadd.s32 $0x240, s15  }
0x89: {  	[tilespmem:s29], [sflag:$0x1] =	stream.indirect.gather [hbm4b:s4+s26], $0x80, s16, s26, $0xb8;
	[tilespmem:$0x1E800] =	vst v63  }
.LBB2_5:
0x8a: {  	_ =	sfence.sel $0x180000  }
0x8b: {  	[bflag:$0x0] =	sbarrier.arrive $0xFFFF  }
0x8c: {  	_ =	strace $0x9000004D  }
0x8d: {  	s0 =	stileid.u32;
	[bflag:$0x2] =	sbarrier.arrive $0xFFFF  }
0x8e: {  	p0 =	sne.s32 s0, $0x0;
	s0 =	rddreg [dreg:$0x3]  }
0x8f: {  	s0 =	sadd.s32 @!p0 $0x100000, s0  }
0x90: {  	[sflag:s0] =	ssyncadd.tile.s32 @!p0 $0x1;
	_ =	shalt  }
.Lfunc_end2:
_tile_overlayer_lowered:
.L_overlay_start_2:
0x91: {  	(tag) =	ssettag $0x2  }
0x92: {  	s0 =	rddreg [dreg:$0x0];
	s2 =	stileid.u32  }
0x93: {  	s1 =	rddreg [dreg:$0x1];
	p0 =	sne.s32 s2, $0x0  }
0x94: {  	s3 =	rddreg [dreg:$0x2];
	[bflag:$0x3] =	sbarrier.arrive $0xFFFF;
	s2 =	simm.s32 @!p0 $0x1C04  }
0x95: {  	[timem:s3], [sflag:s2] =	dma.local @!p0 [hbm:s0], s1  }
0x96: {  	s0 =	simm.s32 @!p0 $0x4  }
0x97: {  	_ =	swait.ge @!p0 [sflag:s0], s1  }
0x98: {  	s1 =	ssub.s32 @!p0 $0x0, s1;
	[sflag:s0] =	ssyncset.done @!p0 $0x0  }
0x99: {  	[sflag:s0] =	ssyncadd.s32 @!p0 s1  }
0x9a: {  	[bflag:$0x3] =	sbarrier.arrive $0xFFFF  }
0x9b: {  	_ =	shalt  }

// kernel: kernel.8.cloned.1.call-start
scs
__scs_entry_jumppad:
0x0: {  	(pc) =	sbr.rel $0x88, $3  }
0x1: {  	(tag) =	ssettag $0x0;
	lr =	simm.s32 $0x1  }
0x2: {  	[smem:$0x3F9B] =	sst lr;
	_ =	strace $0xD0000000  }
0x3: {  	_ = 	snop  }
0x4: {  	_ = 	snop  }
0x5: {  	_ = 	snop  }
0x6: {  	_ = 	snop  }
0x7: {  	_ = 	snop  }
__scs_overlays_trampoline_lowered:
0x8: {  	[smem:$0x3FAA] =	sst s0  }
0x9: {  	[smem:$0x3FAB] =	sst s1  }
0xa: {  	[smem:$0x3FAC] =	sst s2  }
0xb: {  	[smem:$0x3FAD] =	sst s3  }
0xc: {  	[smem:$0x3FAE] =	sst s4  }
0xd: {  	[smem:$0x3FAF] =	sst s5  }
0xe: {  	[smem:$0x3FB0] =	sst s6  }
0xf: {  	[smem:$0x3FB1] =	sst s7  }
0x10: {  	[smem:$0x3FB2] =	sst s8  }
0x11: {  	[smem:$0x3FB3] =	sst s9;
	s0 =	simm.s32 @!p0 $0x0  }
0x12: {  	s1 =	sld [smem:$0x3F99];
	s0 =	simm.s32 @p0 $0x1  }
0x13: {  	[smem:$0x3FB4] =	sst s0;
	s0 =	simm.s32 @!p1 $0x0  }
0x14: {  	s2 =	sld [smem:$0x3F98];
	s0 =	simm.s32 @p1 $0x1  }
0x15: {  	[smem:$0x3FB5] =	sst s0;
	s0 =	simm.s32 @!p2 $0x0  }
0x16: {  	s3 =	sld [smem:$0x3FDB];
	s0 =	simm.s32 @p2 $0x1  }
0x17: {  	s4 =	simm.s32 $0x1BF5;
	[smem:$0x3FB7] =	sst s0  }
0x18: {  	s0 =	sld [smem:$0x3F9A];
	_ =	swait.ge [sflag:s4], $0x0  }
0x19: {  	s7 =	sld [smem:$0x3F9B]  }
0x1a: {  	s8 =	sadd.s32 $0xFFFFE003, lr  }
0x1b: {  	s9 =	sadd.s32 $0xFFFFFEF7, lr;
	s5 =	simm.s32 $0xFFFFFFFF;
	p2 =	slt.u32 s8, $0xFFFFF086  }
0x1c: {  	p1 =	slt.u32 s9, $0xF7A;
	s5 =	simm.s32 @!p2 $0x0  }
0x1d: {  	s5 =	simm.s32 @p1 $0x1;
	p0 =	seq.s32 s7, s2  }
0x1e: {  	s7 =	smul.u32 @!p0 $0xF7A, s2;
	p2 =	seq.s32 @!p0 s5, $0x0  }
0x1f: {  	s9 =	smul.u32 $0xF7A, s1;
	s8 =	simm.s32 @!p0 $0x1BF5;
	p2 =	por !p2, p0  }
0x20: {  	[sflag:s8] =	ssyncset.s32 @!p0 $0xFFFFF086;
	s6 =	sadd.s32 @!p0 s3, s7;
	s7 =	simm.s32 @!p0 $0x108  }
0x21: {  	s3 =	sadd.s32 s3, s9;
	s6 =	sadd.s32 @!p0 $0x88, s6;
	s7 =	simm.s32 @p2 $0x1082  }
0x22: {  	[simem:s7], [sflag:s8] =	dma.local @!p0 [hbm:s6], $0xF7A  }
0x23: {  	s9 =	sor.u32 $0xD0000000, s2;
	s6 =	simm.s32 $0x108;
	_ =	swait.ge @!p0 [sflag:s8], $0x0  }
0x24: {  	s3 =	sadd.s32 $0x88, s3;
	s6 =	simm.s32 @!p1 $0x1082;
	[sflag:s4] =	ssyncset.s32 $0xFFFFF086  }
0x25: {  	[simem:s6], [sflag:s4] =	dma.local [hbm:s3], $0xF7A  }
0x26: {  	[smem:$0x3F9B] =	sst s1;
	(tag) =	ssettag s2;
	_ =	strace s9  }
0x27: {  	s1 =	sld [smem:$0x3FAB]  }
0x28: {  	s2 =	sld [smem:$0x3FAC]  }
0x29: {  	s4 =	sld [smem:$0x3FAE]  }
0x2a: {  	p0 =	seq.s32 s5, $0x0;
	s5 =	sld [smem:$0x3FAF]  }
0x2b: {  	s6 =	sld [smem:$0x3FB0]  }
0x2c: {  	s7 =	sld [smem:$0x3FB1]  }
0x2d: {  	s3 =	simm.s32 $0x108;
	s8 =	sld [smem:$0x3FB2]  }
0x2e: {  	s3 =	simm.s32 @!p0 $0x1082;
	s9 =	sld [smem:$0x3FB3]  }
0x2f: {  	lr =	sadd.s32 s0, s3;
	s0 =	sld [smem:$0x3FAA]  }
0x30: {  	s3 =	sld [smem:$0x3FAD]  }
0x31: {  	[smem:$0x3FB6] =	sst s10  }
0x32: {  	s10 =	sld [smem:$0x3FB4];
	_ =	sdelay $0x3  }
0x33: {  	p0 =	seq.s32 s10, $0x1;
	s10 =	sld [smem:$0x3FB6];
	_ =	sdelay $0x3  }
0x34: {  	[smem:$0x3FB6] =	sst s10  }
0x35: {  	s10 =	sld [smem:$0x3FB5];
	_ =	sdelay $0x3  }
0x36: {  	p1 =	seq.s32 s10, $0x1;
	s10 =	sld [smem:$0x3FB6];
	_ =	sdelay $0x3  }
0x37: {  	[smem:$0x3FB6] =	sst s10  }
0x38: {  	s10 =	sld [smem:$0x3FB7]  }
0x39: {  	_ = 	snop;
	(pc) =	sbr.ind lr, $3  }
0x3a: {  	_ = 	snop  }
0x3b: {  	_ = 	snop  }
0x3c: {  	p2 =	seq.s32 s10, $0x1;
	s10 =	sld [smem:$0x3FB6]  }
0x3d: {  	_ =	shalt  }
0x3e: {  	_ =	shalt  }
0x3f: {  	_ =	shalt  }
0x40: {  	_ =	shalt  }
0x41: {  	_ =	shalt  }
0x42: {  	_ =	shalt  }
0x43: {  	_ =	shalt  }
0x44: {  	_ =	shalt  }
0x45: {  	_ =	shalt  }
0x46: {  	_ =	shalt  }
0x47: {  	_ =	shalt  }
0x48: {  	_ =	shalt  }
0x49: {  	_ =	shalt  }
0x4a: {  	_ =	shalt  }
0x4b: {  	_ =	shalt  }
0x4c: {  	_ =	shalt  }
0x4d: {  	_ =	shalt  }
0x4e: {  	_ =	shalt  }
0x4f: {  	_ =	shalt  }
0x50: {  	_ =	shalt  }
0x51: {  	_ =	shalt  }
0x52: {  	_ =	shalt  }
0x53: {  	_ =	shalt  }
0x54: {  	_ =	shalt  }
0x55: {  	_ =	shalt  }
0x56: {  	_ =	shalt  }
0x57: {  	_ =	shalt  }
0x58: {  	_ =	shalt  }
0x59: {  	_ =	shalt  }
0x5a: {  	_ =	shalt  }
0x5b: {  	_ =	shalt  }
0x5c: {  	_ =	shalt  }
0x5d: {  	_ =	shalt  }
0x5e: {  	_ =	shalt  }
0x5f: {  	_ =	shalt  }
0x60: {  	_ =	shalt  }
0x61: {  	_ =	shalt  }
0x62: {  	_ =	shalt  }
0x63: {  	_ =	shalt  }
0x64: {  	_ =	shalt  }
0x65: {  	_ =	shalt  }
0x66: {  	_ =	shalt  }
0x67: {  	_ =	shalt  }
0x68: {  	_ =	shalt  }
0x69: {  	_ =	shalt  }
0x6a: {  	_ =	shalt  }
0x6b: {  	_ =	shalt  }
0x6c: {  	_ =	shalt  }
0x6d: {  	_ =	shalt  }
0x6e: {  	_ =	shalt  }
0x6f: {  	_ =	shalt  }
0x70: {  	_ =	shalt  }
0x71: {  	_ =	shalt  }
0x72: {  	_ =	shalt  }
0x73: {  	_ =	shalt  }
0x74: {  	_ =	shalt  }
0x75: {  	_ =	shalt  }
0x76: {  	_ =	shalt  }
0x77: {  	_ =	shalt  }
0x78: {  	_ =	shalt  }
0x79: {  	_ =	shalt  }
0x7a: {  	_ =	shalt  }
0x7b: {  	_ =	shalt  }
0x7c: {  	_ =	shalt  }
0x7d: {  	_ =	shalt  }
0x7e: {  	_ =	shalt  }
0x7f: {  	_ =	shalt  }
0x80: {  	_ =	shalt  }
0x81: {  	_ =	shalt  }
0x82: {  	_ =	shalt  }
0x83: {  	_ =	shalt  }
0x84: {  	_ =	shalt  }
0x85: {  	_ =	shalt  }
0x86: {  	_ =	shalt  }
0x87: {  	_ =	shalt  }
.Lfunc_end0:
.L_simem_size_0:
called_computation_lowered:
.L_overlay_start_0:
0x88: {  	s2 =	sld [smem:$0x3FD9]  }
0x89: {  	s3 =	sld [smem:$0x3FFE];
	_ =	sdelay $0x1  }
0x8a: {  	s1 =	srdreg.scid  }
0x8b: {  	s0 =	sand.u32 $0x1, s1  }
0x8c: {  	s17 =	sshll.u32 s0, $0xA;
	s2 =	sadd.s32 s3, s2  }
0x8d: {  	s2 =	sadd.s32 s2, s17  }
0x8e: {  	[smem:$0x3FC2] =	sst s2  }
0x8f: {  	_ = 	snop  }
0x90: {  	s2 =	sld [smem:$0x3FD0];
	(tm) =	ssettm $0x1  }
0x91: {  	s18 =	sld [smem:$0x3FFB];
	_ =	sdelay $0x3  }
0x92: {  	_ =	strace s18  }
0x93: {  	s3 =	sld [smem:$0x3FFC];
	_ =	sdelay $0x3  }
0x94: {  	_ =	strace s3  }
0x95: {  	s3 =	sld [smem:$0x3FFD];
	_ =	sdelay $0x3  }
0x96: {  	_ =	strace s3  }
0x97: {  	_ =	strace $0x8FFFFFFF  }
0x98: {  	s19 =	sld [smem:$0x3FDB];
	_ =	sdelay $0x1  }
0x99: {  	s4 =	simm.s32 $_scs_section_size  }
0x9a: {  	s5 =	simm.s32 $_size__tile_overlayer_lowered;
	s6 =	simm.s32 $_tile_overlayer_lowered  }
0x9b: {  	s22 =	simm.s32 $0x1BFF;
	s21 =	sshll.u32 s6, $0x1;
	s3 =	sadd.s32 s4, s19  }
0x9c: {  	s7 =	simm.s32 $0x0;
	s20 =	sshll.u32 s5, $0x1;
	s5 =	sadd.s32 s21, s3  }
0x9d: {  	[timem:s7], [sflag:s22] =	dma.local [hbm:s5], s20  }
0x9e: {  	_ =	swait.ge [sflag:s22], s20  }
0x9f: {  	s4 =	ssub.s32 $0x0, s20;
	[sflag:s22] =	ssyncset.done $0x0  }
0xa0: {  	[sflag:s22] =	ssyncadd.s32 s4;
	_ =	sdelay $0x1  }
0xa1: {  	s23 =	simm.s32 $0x1B8B  }
0xa2: {  	_ =	swait.ge [sflag:s23], $0x1  }
0xa3: {  	[sflag:s23] =	ssyncset.done $0x0  }
0xa4: {  	s25 =	simm.s32 $0x1B8E;
	s24 =	sld [smem:$0x3FFE];
	[sflag:s23] =	ssyncadd.s32 $0xFFFFFFFF  }
0xa5: {  	s26 =	simm.s32 $execute0_lowered;
	[smem:$0x3FD2] =	sst s25  }
0xa6: {  	s5 =	sshll.u32 s26, $0x1;
	_ =	strace $0x80000046;
	[dreg:$0x1] =	wrdreg $0xFFFFFFFF  }
0xa7: {  	s28 =	simm.s32 $_size_execute0_lowered;
	s3 =	sadd.s32 s3, s5;
	[dreg:$0x0] =	wrdreg $0x0  }
0xa8: {  	s5 =	sshll.u32 s28, $0x1;
	[dreg:$0x2] =	wrdreg s3  }
0xa9: {  	[dreg:$0x3] =	wrdreg s5  }
0xaa: {  	[dreg:$0x4] =	wrdreg $0xC0  }
0xab: {  	_ =	task [dreg:s7], $0x5FFFF  }
0xac: {  	[dreg:$0x1] =	wrdreg $0xFFFFFFFF  }
0xad: {  	[dreg:$0x0] =	wrdreg $0x60  }
0xae: {  	[dreg:$0x2] =	wrdreg s2  }
0xaf: {  	[dreg:$0x3] =	wrdreg s24  }
0xb0: {  	[dreg:$0x4] =	wrdreg $0x54000  }
0xb1: {  	[dreg:$0x5] =	wrdreg $0x9  }
0xb2: {  	_ =	task.clear_ibuf [dreg:s7], $0x6FFFF;
	_ =	strace $0x90000046  }
0xb3: {  	s29 =	simm.s32 $0x9;
	_ =	strace $0x80000048  }
0xb4: {  	_ =	swait.ge [sflag:s29], $0x1  }
0xb5: {  	[sflag:s29] =	ssyncadd.s32 $0xFFFFFFFF  }
0xb6: {  	_ =	strace $0x90000048  }
0xb7: {  	_ =	sfence  }
0xb8: {  	s30 =	sld [smem:$0x0];
	_ =	sdelay $0x2  }
0xb9: {  	s31 =	sshll.u32 s1, $0xD;
	s1 =	sshrl.u32 s1, $0x2  }
0xba: {  	s3 =	sand.u32 $0x4000, s31;
	s1 =	sadd.s32 s1, s30  }
0xbb: {  	s0 =	sor.u32 s3, s0;
	s1 =	sshll.u32 s1, $0x11  }
0xbc: {  	s0 =	sor.u32 s1, s0  }
0xbd: {  	s0 =	sadd.s32 $0x8F2B, s0  }
0xbe: {  	[sflag:s0] =	ssyncadd.remote.s32 $0x1  }
0xbf: {  	_ =	sfence.sel $0xFFFF  }
0xc0: {  	[dreg:$0x0] =	wrdreg $0xFFFFFFFF;
	(pc) =	sbr.abs _section_cstart, $3  }
0xc1: {  	[dreg:$0x1] =	wrdreg $0xFFFFFFFF  }
0xc2: {  	_ =	task.clear_ibuf [dreg:s7], $0x2FFFF;
	_ =	strace $0x9FFFFFFF  }
0xc3: {  	(tm) =	ssettm $0x7FFFFFFF  }
tec
execute0_lowered:
.L_overlay_start_1:
0x0: {  	(tag) =	ssettag $0x1  }
0x1: {  	s7 =	rddreg [dreg:$0x0]  }
0x2: {  	s5 =	rddreg [dreg:$0x1]  }
0x3: {  	s2 =	rddreg [dreg:$0x2]  }
0x4: {  	s0 =	rddreg [dreg:$0x3]  }
0x5: {  	s1 =	stileid.u32;
	s4 =	srdreg.scid;
	s3 =	simm.s32 $0x0  }
0x6: {  	s15 =	simm.s32 $0x2;
	s16 =	simm.s32 $0x0;
	s6 =	smul.u32 $0x14000, s1  }
0x7: {  	s8 =	sand.u32 $0x1, s4;
	[smem:$0x7FF] =	sst s3;
	s4 =	sadd.s32 $0x2F800, s5  }
0x8: {  	s26 =	smul.u32 $0x50000, s1;
	s11 =	sshll.u32 s1, $0x1;
	s31 =	sshll.u32 s1, $0x6  }
0x9: {  	s9 =	smul.u32 $0x140000, s8;
	_ =	strace $0x80000047;
	s28 =	ssub.s32 $0x2, s8  }
0xa: {  	s29 =	sor.u32 s8, s11;
	s25 =	sshrl.u32 s6, $0x3;
	s30 =	sshrl.u32 s28, $0x1  }
0xb: {  	s11 =	smul.u32 $0x280, s29;
	s10 =	sadd.s32 s25, s5;
	s6 =	sadd.s32 s6, s9  }
0xc: {  	s9 =	sshrl.u32 s26, $0x2;
	s13 =	ssub.s32 s28, s30;
	s6 =	sshrl.u32 s6, $0x3  }
0xd: {  	s14 =	sadd.s32 s9, s2;
	s7 =	sadd.s32 s7, s11;
	s9 =	smax.u32 s13, $0x1  }
0xe: {  	s11 =	simm.s32 $0x3;
	s13 =	simm.s32 $0x80;
	s12 =	sadd.s32 s6, s5  }
0xf: {  	s5 =	sadd.s32 $0x7800, s10;
	s6 =	sor.u32 $0x1C03, s31;
	s10 =	sshrl.u32 s14, $0x3  }
0x10: {  	s14 =	simm.s32 $0x1;
	s8 =	sadd.s32 $0x30000, s12;
	s12 =	simm.s32 $0x1400  }
.LBB2_1:
0x11: {  	[spmem:s10], [sflag:s6] =	dma.local [hbm:s5], $0x2800  }
0x12: {  	_ =	swait.ge [sflag:s11], $0x2800  }
0x13: {  	[sflag:s11] =	ssyncset.done $0x0  }
0x14: {  	[sflag:s11] =	ssyncadd.s32 $0xFFFFD800  }
0x15: {  	[tilespmem:s12], [sflag:$0x3] =	stream.linear.gather [hbm4b:s4+s3], $0x4000, $0x38;
	[tilespmem:$0x19400] =	vst v63  }
0x16: {  	_ =	swait.ge [sflag:s11], $0x4000  }
0x17: {  	[sflag:s11] =	ssyncset.done $0x0  }
0x18: {  	[sflag:s11] =	ssyncadd.s32 $0xFFFFC000  }
0x19: {  	[tilespmem:s3], [sflag:$0x3] =	stream.linear.gather [hbm4b:s7+s3], $0x1400, $0x38;
	[tilespmem:$0x19400] =	vst v63  }
0x1a: {  	_ =	swait.ge [sflag:s11], $0x1400  }
0x1b: {  	[sflag:s11] =	ssyncset.done $0x0  }
0x1c: {  	[sflag:s11] =	ssyncadd.s32 $0xFFFFEC00  }
0x1d: {  	[bflag:$0x0] =	sbarrier.arrive $0xFFFF  }
0x1e: {  	[spmem:s2] =	stream.indirect.scatter.add.f32 [tilespmem:s12], [sflag:$0x1], $0x80, s3, s13, $0xb8;
	[tilespmem:$0x19400] =	vst v63  }
0x1f: {  	_ = 	snop  }
0x20: {  	[spmem:s2] =	stream.indirect.scatter.add.f32 [tilespmem:s12], [sflag:$0x2], $0x80, s13, s13, $0xb8;
	[tilespmem:$0x19400] =	vst v63  }
0x21: {  	_ =	swait.ge [sflag:s14], $0x4000  }
0x22: {  	[sflag:s14] =	ssyncset.done $0x0  }
0x23: {  	s17 =	simm.s32 $0x100;
	[sflag:s14] =	ssyncadd.s32 $0xFFFFC000  }
0x24: {  	[spmem:s2] =	stream.indirect.scatter.add.f32 [tilespmem:s12], [sflag:$0x1], $0x80, s17, s13, $0xb8;
	[tilespmem:$0x19400] =	vst v63  }
0x25: {  	_ =	swait.ge [sflag:s15], $0x4000  }
0x26: {  	[sflag:s15] =	ssyncset.done $0x0  }
0x27: {  	s18 =	simm.s32 $0x180;
	s17 =	simm.s32 $0xFFFFB800;
	[sflag:s15] =	ssyncadd.s32 $0xFFFFC000  }
.LBB2_2:
0x28: {  	[spmem:s2] =	stream.indirect.scatter.add.f32 [tilespmem:s12], [sflag:$0x2], $0x80, s18, s13, $0xb8;
	[tilespmem:$0x19400] =	vst v63  }
0x29: {  	s18 =	smov.u32 s17  }
0x2a: {  	p0 =	sne.s32 s17, $0xFFFFFC00;
	s17 =	sadd.s32 $0x400, s17;
	_ =	swait.ge [sflag:s14], $0x4000  }
0x2b: {  	s18 =	sshra.s32 s18, $0x2;
	[sflag:s14] =	ssyncset.done $0x0  }
.Ltmp0:
0x2c: {  	s19 =	sadd.s32 $0x1400, s18;
	[sflag:s14] =	ssyncadd.s32 $0xFFFFC000;
	(pc) =	sbr.rel @p0 .LBB2_2-.Ltmp0, $4  }
0x2d: {  	[spmem:s2] =	stream.indirect.scatter.add.f32 [tilespmem:s12], [sflag:$0x1], $0x80, s19, s13, $0xb8;
	[tilespmem:$0x19400] =	vst v63  }
0x2e: {  	_ =	swait.ge [sflag:s15], $0x4000  }
0x2f: {  	[sflag:s15] =	ssyncset.done $0x0  }
0x30: {  	s18 =	sadd.s32 $0x1480, s18;
	[sflag:s15] =	ssyncadd.s32 $0xFFFFC000  }
0x31: {  	[spmem:s2] =	stream.indirect.scatter.add.f32 [tilespmem:s12], [sflag:$0x2], $0x80, s18, s13, $0xb8;
	[tilespmem:$0x19400] =	vst v63  }
0x32: {  	_ =	swait.ge [sflag:s14], $0x4000  }
0x33: {  	[sflag:s14] =	ssyncset.done $0x0  }
0x34: {  	[sflag:s14] =	ssyncadd.s32 $0xFFFFC000  }
0x35: {  	_ =	swait.ge [sflag:s15], $0x4000  }
0x36: {  	s16 =	sadd.s32 $0x1, s16;
	[sflag:s15] =	ssyncset.done $0x0  }
0x37: {  	p0 =	sne.s32 s16, s9;
	[sflag:s15] =	ssyncadd.s32 $0xFFFFC000  }
.Ltmp1:
0x38: {  	[bflag:$0x0] =	sbarrier.arrive $0xFFFF;
	(pc) =	sbr.rel @p0 .LBB2_1-.Ltmp1, $4  }
0x39: {  	[hbm:s8], [sflag:s6] =	dma.local [spmem:s10], $0x2800  }
0x3a: {  	_ =	swait.ge [sflag:s11], $0x2800  }
0x3b: {  	[sflag:s11] =	ssyncset.done $0x0  }
0x3c: {  	[sflag:s11] =	ssyncadd.s32 $0xFFFFD800  }
0x3d: {  	_ =	sfence.sel $0x180000  }
0x3e: {  	[bflag:$0x0] =	sbarrier.arrive $0xFFFF  }
0x3f: {  	p0 =	sne.s32 s1, $0x0;
	_ =	strace $0x90000047  }
0x40: {  	s0 =	sadd.s32 @!p0 $0x100000, s0;
	[bflag:$0x2] =	sbarrier.arrive $0xFFFF  }
0x41: {  	[sflag:s0] =	ssyncadd.tile.s32 @!p0 $0x1;
	_ =	shalt  }
.Lfunc_end2:
_tile_overlayer_lowered:
.L_overlay_start_2:
0x42: {  	(tag) =	ssettag $0x2  }
0x43: {  	s0 =	rddreg [dreg:$0x0];
	s2 =	stileid.u32  }
0x44: {  	s1 =	rddreg [dreg:$0x1];
	p0 =	sne.s32 s2, $0x0  }
0x45: {  	s3 =	rddreg [dreg:$0x2];
	[bflag:$0x3] =	sbarrier.arrive $0xFFFF;
	s2 =	simm.s32 @!p0 $0x1C03  }
0x46: {  	[timem:s3], [sflag:s2] =	dma.local @!p0 [hbm:s0], s1  }
0x47: {  	s0 =	simm.s32 @!p0 $0x3  }
0x48: {  	_ =	swait.ge @!p0 [sflag:s0], s1  }
0x49: {  	s1 =	ssub.s32 @!p0 $0x0, s1;
	[sflag:s0] =	ssyncset.done @!p0 $0x0  }
0x4a: {  	[sflag:s0] =	ssyncadd.s32 @!p0 s1  }
0x4b: {  	[bflag:$0x3] =	sbarrier.arrive $0xFFFF  }
0x4c: {  	_ =	shalt  }

</sc_bundles>
